<compile_context>
chip_gen: v7x
topology: tpu7x:2x2x1
jax: 0.10.2.dev20260603
libtpu: 0.0.44.dev20260713+nightly
codegen_flags: <defaults>
</compile_context>

<pallas_src>
import functools

import jax
import jax.numpy as jnp
from jax import lax
from jax.experimental import pallas as pl
from jax.experimental.pallas import tpu as pltpu
from jax.experimental.pallas import tpu_sc as plsc

_N = 65536
_NC = 2
_NS = 16
_NW = _NC * _NS
_C = 4096
_G = _C // 16
_NSL = _N // _NS
_NRP = 4
_NCV = 2


@functools.lru_cache(maxsize=None)
def _spmv(nnz):
    full = nnz // _C
    tail = nnz - full * _C
    nchunks = full + (1 if tail else 0)
    steps = -(-nchunks // _NW)
    steps = -(-steps // _NRP) * _NRP

    mesh = plsc.VectorSubcoreMesh(core_axis_name="c", subcore_axis_name="s")

    @functools.partial(
        pl.kernel,
        out_type=jax.ShapeDtypeStruct((_NC, _N), jnp.float32),
        mesh=mesh,
        compiler_params=pltpu.CompilerParams(needs_layout_passes=False),
        scratch_types=[
            pltpu.VMEM((_N,), jnp.float32),
            *[pltpu.VMEM((_C,), jnp.int32) for _ in range(_NRP)],
            *[pltpu.VMEM((_C,), jnp.int32) for _ in range(_NCV)],
            *[pltpu.VMEM((_C,), jnp.float32) for _ in range(_NCV)],
            *[pltpu.VMEM((_C,), jnp.float32) for _ in range(_NRP)],
            pltpu.VMEM_SHARED((_N,), jnp.float32),
            pltpu.VMEM_SHARED((_N,), jnp.float32),
            *[pltpu.SemaphoreType.DMA for _ in range(_NCV + _NRP)],
        ],
    )
    def k(rows_hbm, cols_hbm, vals_hbm, rc_t, vals_t,
          x_hbm, out_hbm,
          x_l, rb0, rb1, rb2, rb3, cb0, cb1, vb0, vb1, pb0, pb1, pb2, pb3,
          y_sh, x_sh, is0, is1, ss0, ss1, ss2, ss3):
        rows_b = (rb0, rb1, rb2, rb3)
        cols_b = (cb0, cb1)
        vals_b = (vb0, vb1)
        prod_b = (pb0, pb1, pb2, pb3)
        in_sems = (is0, is1)
        sc_sems = (ss0, ss1, ss2, ss3)
        c = lax.axis_index("c")
        s = lax.axis_index("s")
        w = c * _NS + s

        zsl = pl.ds(s * _NSL, _NSL)
        pltpu.sync_copy(x_hbm.at[zsl], x_sh.at[zsl])
        z16 = jnp.zeros((16,), jnp.float32)

        @plsc.parallel_loop(0, _G, 1, unroll=8)
        def _z(g):
            pb0[pl.ds(g * 16, 16)] = z16

        pltpu.sync_copy(pb0, y_sh.at[zsl])
        plsc.subcore_barrier()
        pltpu.sync_copy(x_sh, x_l)

        def fire_inputs(t, rp, cv):
            cid = t * _NW + w
            base = cid * _C

            @pl.when(cid < full)
            def _():
                pltpu.async_copy(rows_hbm.at[pl.ds(base, _C)],
                                 rows_b[rp], in_sems[cv])
                pltpu.async_copy(cols_hbm.at[pl.ds(base, _C)],
                                 cols_b[cv], in_sems[cv])
                pltpu.async_copy(vals_hbm.at[pl.ds(base, _C)],
                                 vals_b[cv], in_sems[cv])

            if tail:
                @pl.when(cid == full)
                def _():
                    pltpu.async_copy(rc_t.at[pl.ds(0, _C)],
                                     rows_b[rp], in_sems[cv])
                    pltpu.async_copy(rc_t.at[pl.ds(_C, _C)],
                                     cols_b[cv], in_sems[cv])
                    pltpu.async_copy(vals_t, vals_b[cv], in_sems[cv])

        def wait_inputs(t, rp, cv):
            cid = t * _NW + w

            @pl.when(cid <= nchunks - 1)
            def _():
                pltpu.make_async_copy(rows_hbm.at[pl.ds(0, _C)],
                                      rows_b[rp], in_sems[cv]).wait()
                pltpu.make_async_copy(cols_hbm.at[pl.ds(0, _C)],
                                      cols_b[cv], in_sems[cv]).wait()
                pltpu.make_async_copy(vals_hbm.at[pl.ds(0, _C)],
                                      vals_b[cv], in_sems[cv]).wait()

        def compute(rp, cv):
            @plsc.parallel_loop(0, _G, 1, unroll=8)
            def g_body(g):
                sl = pl.ds(g * 16, 16)
                idx = cols_b[cv][sl]
                xv = plsc.load_gather(x_l, [idx])
                prod_b[rp][sl] = xv * vals_b[cv][sl]

        def fire_scatter(rp):
            pltpu.async_copy(prod_b[rp], y_sh.at[rows_b[rp]],
                             sc_sems[rp], add=True)

        def wait_scatter(rp):
            pltpu.make_async_copy(prod_b[rp], y_sh.at[rows_b[rp]],
                                  sc_sems[rp]).wait()

        fire_inputs(0, 0, 0)

        def pipe_body(i, carry):
            for j in range(_NRP):
                t = i * _NRP + j
                rp = j
                cv = j % _NCV
                nrp = (j + 1) % _NRP
                ncv = (j + 1) % _NCV
                tp = t - (_NRP - 1)
                cidp = tp * _NW + w

                @pl.when((tp >= 0) & (cidp <= nchunks - 1))
                def _():
                    wait_scatter(nrp)

                fire_inputs(t + 1, nrp, ncv)
                wait_inputs(t, rp, cv)
                cid = t * _NW + w

                @pl.when(cid <= nchunks - 1)
                def _():
                    compute(rp, cv)
                    fire_scatter(rp)
            return carry

        lax.fori_loop(0, steps // _NRP, pipe_body, 0)

        for t in range(steps - (_NRP - 1), steps):
            cid = t * _NW + w

            @pl.when((t >= 0) & (cid <= nchunks - 1))
            def _():
                wait_scatter(t % _NRP)

        plsc.subcore_barrier()
        pltpu.sync_copy(y_sh.at[zsl], out_hbm.at[c, zsl])

    return k


def _combine(partials):
    def body(p_ref, o_ref):
        o_ref[...] = p_ref[0] + p_ref[1]

    return pl.pallas_call(
        body,
        out_shape=jax.ShapeDtypeStruct((_N,), jnp.float32),
    )(partials)


def kernel(rows, cols, vals, x):
    nnz = rows.shape[0]
    full = nnz // _C
    tail = nnz - full * _C
    pad = _C - tail if tail else 0
    rc_t = (jnp.zeros((2 * _C,), jnp.int32)
            .at[:tail].set(rows[full * _C:])
            .at[_C:_C + tail].set(cols[full * _C:]))
    vals_t = jnp.pad(vals[full * _C:], (0, pad))
    partials = _spmv(nnz)(rows, cols, vals, rc_t, vals_t, x)
    y = _combine(partials)
    return y.astype(jnp.float64)

# --- scband reference (transcript-rebuilt; emitter-appended) ---
"""Pipeline reference for scband-htorch-74801150428019 (READ-ONLY COPY).

The authoritative reference and input builder live on the scoring server;
editing this copy changes nothing except your own understanding.
"""

import jax, jax.numpy as jnp
import numpy as np

N = 65536
NNZ = 4294967

def setup_inputs(seed: int = 0) -> dict:
    key = jax.random.key(seed)
    k1, k2, k3, k4 = jax.random.split(key, 4)
    rows = jax.random.randint(k1, (NNZ,), 0, N, dtype=jnp.int64 if jax.config.jax_enable_x64 else jnp.int32).astype(jnp.int32)
    cols = jax.random.randint(k2, (NNZ,), 0, N, dtype=jnp.int64 if jax.config.jax_enable_x64 else jnp.int32).astype(jnp.int32)
    vals = jax.random.normal(k3, (NNZ,), dtype=jnp.float32)
    x = jax.random.normal(k4, (N,), dtype=jnp.float32)
    return {"rows": rows, "cols": cols, "vals": vals, "x": x}

def reference(rows, cols, vals, x):
    # HTorch.forward(): torch.matmul(H_torch, self.x).double()
    # H_torch is a sparse (N, N) blur operator stored in COO form (rows, cols, vals);
    # sparse mat-vec = gather x at column indices, multiply by nonzero values,
    # scatter-add into the output at row indices.
    gathered = vals * jnp.take(x, cols, axis=0)
    y = jnp.zeros((N,), dtype=jnp.float32).at[rows].add(gathered)
    return y.astype(jnp.float64)

if __name__ == "__main__":
    import jax
    _d = setup_inputs()
    print(jax.jit(kernel)(*tuple(_d.values())))

</pallas_src>

<mosaic_0001>
#map = affine_map<(d0, d1) -> (0)>
#map1 = affine_map<(d0, d1) -> (0, 0)>
module attributes {stable_mosaic.version = 14 : i64} {
  func.func @k(%arg0: i32, %arg1: i32, %arg2: memref<4294967xi32, #tpu.memory_space<hbm>>, %arg3: memref<4294967xi32, #tpu.memory_space<hbm>>, %arg4: memref<4294967xf32, #tpu.memory_space<hbm>>, %arg5: memref<8192xi32, #tpu.memory_space<hbm>>, %arg6: memref<4096xf32, #tpu.memory_space<hbm>>, %arg7: memref<65536xf32, #tpu.memory_space<hbm>>, %arg8: memref<2x65536xf32, #tpu.memory_space<hbm>>, %arg9: memref<65536xf32, #tpu.memory_space<vmem>>, %arg10: memref<4096xi32, #tpu.memory_space<vmem>>, %arg11: memref<4096xi32, #tpu.memory_space<vmem>>, %arg12: memref<4096xi32, #tpu.memory_space<vmem>>, %arg13: memref<4096xi32, #tpu.memory_space<vmem>>, %arg14: memref<4096xi32, #tpu.memory_space<vmem>>, %arg15: memref<4096xi32, #tpu.memory_space<vmem>>, %arg16: memref<4096xf32, #tpu.memory_space<vmem>>, %arg17: memref<4096xf32, #tpu.memory_space<vmem>>, %arg18: memref<4096xf32, #tpu.memory_space<vmem>>, %arg19: memref<4096xf32, #tpu.memory_space<vmem>>, %arg20: memref<4096xf32, #tpu.memory_space<vmem>>, %arg21: memref<4096xf32, #tpu.memory_space<vmem>>, %arg22: memref<65536xf32, #tpu.memory_space<vmem_shared>>, %arg23: memref<65536xf32, #tpu.memory_space<vmem_shared>>, %arg24: memref<!tpu.dma_semaphore, #tpu.memory_space<semaphore_mem>>, %arg25: memref<!tpu.dma_semaphore, #tpu.memory_space<semaphore_mem>>, %arg26: memref<!tpu.dma_semaphore, #tpu.memory_space<semaphore_mem>>, %arg27: memref<!tpu.dma_semaphore, #tpu.memory_space<semaphore_mem>>, %arg28: memref<!tpu.dma_semaphore, #tpu.memory_space<semaphore_mem>>, %arg29: memref<!tpu.dma_semaphore, #tpu.memory_space<semaphore_mem>>) attributes {dimension_semantics = [#tpu.dimension_semantics<core_parallel>, #tpu.dimension_semantics<subcore_parallel>], iteration_bounds = array<i64: 2, 16>, scalar_prefetch = 0 : i64, scratch_operands = 21 : i64, tpu.core_type = #tpu.core_type<sc_vector_subcore>, window_params = [{transform_indices = #map}, {transform_indices = #map}, {transform_indices = #map}, {transform_indices = #map}, {transform_indices = #map}, {transform_indices = #map}, {transform_indices = #map1}]} {
    %mul3A = arith.constant 16 : i32
    %mul3A_0 = arith.muli %arg0, %mul3A : i32
    %add3A = arith.addi %mul3A_0, %arg1 : i32
    %mul3A_1 = arith.constant 4096 : i32
    %mul3A_2 = arith.muli %arg1, %mul3A_1 : i32
    "tpu.region"() ({
      %run_scoped3A = tpu.sem_alloc : memref<!tpu.dma_semaphore, #tpu.memory_space<semaphore_mem>>
      %dma_start3A = tpu.memref_slice %arg23[%mul3A_2] : memref<65536xf32, #tpu.memory_space<vmem_shared>> -> memref<4096xf32, #tpu.memory_space<vmem_shared>>
      %dma_start3A_47 = tpu.memref_slice %arg7[%mul3A_2] : memref<65536xf32, #tpu.memory_space<hbm>> -> memref<4096xf32, #tpu.memory_space<hbm>>
      tpu.enqueue_dma source(%dma_start3A_47 : memref<4096xf32, #tpu.memory_space<hbm>>) target(%dma_start3A : memref<4096xf32, #tpu.memory_space<vmem_shared>>) target_semaphore(%run_scoped3A : memref<!tpu.dma_semaphore, #tpu.memory_space<semaphore_mem>>)
      %dma_wait3A = tpu.memref_slice %arg23[%mul3A_2] : memref<65536xf32, #tpu.memory_space<vmem_shared>> -> memref<4096xf32, #tpu.memory_space<vmem_shared>>
      %dma_wait3A_48 = tpu.memref_slice %arg7[%mul3A_2] : memref<65536xf32, #tpu.memory_space<hbm>> -> memref<4096xf32, #tpu.memory_space<hbm>>
      tpu.wait_dma2 semaphore(%run_scoped3A : memref<!tpu.dma_semaphore, #tpu.memory_space<semaphore_mem>>) src(%dma_wait3A_48 : memref<4096xf32, #tpu.memory_space<hbm>>) dst(%dma_wait3A : memref<4096xf32, #tpu.memory_space<vmem_shared>>)
      tpu.yield
    }) : () -> ()
    %broadcast_in_dim3A = arith.constant 0.000000e+00 : f32
    %broadcast_in_dim3A_3 = vector.broadcast %broadcast_in_dim3A : f32 to vector<16xf32>
    %parallel_loop3A = arith.constant 0 : i32
    %parallel_loop3A_4 = arith.constant 256 : i32
    %parallel_loop3A_5 = arith.constant 1 : i32
    scf.for %parallel_loop3A_47 = %parallel_loop3A to %parallel_loop3A_4 step %parallel_loop3A_5  : i32 {
      %parallel_loop3A_48 = arith.constant 16 : i32
      %parallel_loop3A_49 = arith.muli %parallel_loop3A_47, %parallel_loop3A_48 : i32
      %parallel_loop3A_50 = arith.index_cast %parallel_loop3A_49 : i32 to index
      %parallel_loop3A_51 = tpu.vector_load %arg18[%parallel_loop3A_50] {strides = array<i32>} : memref<4096xf32, #tpu.memory_space<vmem>>, vector<16xf32>,
      tpu.vector_store %arg18[%parallel_loop3A_50], %broadcast_in_dim3A_3 {strides = array<i32>} : memref<4096xf32, #tpu.memory_space<vmem>>, vector<16xf32>,
    } {sc.loop_unroll_factor = 8 : i64, sc.parallel_access}
    "tpu.region"() ({
      %run_scoped3A = tpu.sem_alloc : memref<!tpu.dma_semaphore, #tpu.memory_space<semaphore_mem>>
      %dma_start3A = tpu.memref_slice %arg22[%mul3A_2] : memref<65536xf32, #tpu.memory_space<vmem_shared>> -> memref<4096xf32, #tpu.memory_space<vmem_shared>>
      %dma_start3A_47 = tpu.memref_slice %arg22[%mul3A_2] : memref<65536xf32, #tpu.memory_space<vmem_shared>> -> memref<4096xf32, #tpu.memory_space<vmem_shared>>
      tpu.enqueue_dma source(%arg18 : memref<4096xf32, #tpu.memory_space<vmem>>) target(%dma_start3A_47 : memref<4096xf32, #tpu.memory_space<vmem_shared>>) target_semaphore(%run_scoped3A : memref<!tpu.dma_semaphore, #tpu.memory_space<semaphore_mem>>)
      %dma_wait3A = tpu.memref_slice %arg22[%mul3A_2] : memref<65536xf32, #tpu.memory_space<vmem_shared>> -> memref<4096xf32, #tpu.memory_space<vmem_shared>>
      %dma_wait3A_48 = tpu.memref_slice %arg22[%mul3A_2] : memref<65536xf32, #tpu.memory_space<vmem_shared>> -> memref<4096xf32, #tpu.memory_space<vmem_shared>>
      tpu.wait_dma2 semaphore(%run_scoped3A : memref<!tpu.dma_semaphore, #tpu.memory_space<semaphore_mem>>) src(%arg18 : memref<4096xf32, #tpu.memory_space<vmem>>) dst(%dma_wait3A_48 : memref<4096xf32, #tpu.memory_space<vmem_shared>>)
      tpu.yield
    }) : () -> ()
    %barrier3A = arith.constant 0 : index
    tpu.barrier barrier_id(%barrier3A)
    "tpu.region"() ({
      %run_scoped3A = tpu.sem_alloc : memref<!tpu.dma_semaphore, #tpu.memory_space<semaphore_mem>>
      tpu.enqueue_dma source(%arg23 : memref<65536xf32, #tpu.memory_space<vmem_shared>>) target(%arg9 : memref<65536xf32, #tpu.memory_space<vmem>>) target_semaphore(%run_scoped3A : memref<!tpu.dma_semaphore, #tpu.memory_space<semaphore_mem>>)
      tpu.wait_dma2 semaphore(%run_scoped3A : memref<!tpu.dma_semaphore, #tpu.memory_space<semaphore_mem>>) src(%arg23 : memref<65536xf32, #tpu.memory_space<vmem_shared>>) dst(%arg9 : memref<65536xf32, #tpu.memory_space<vmem>>)
      tpu.yield
    }) : () -> ()
    %add3A_6 = arith.constant 0 : i32
    %add3A_7 = arith.addi %add3A_6, %add3A : i32
    %mul3A_8 = arith.constant 4096 : i32
    %mul3A_9 = arith.muli %add3A_7, %mul3A_8 : i32
    %lt3A = arith.constant 1048 : i32
    %lt3A_10 = arith.cmpi slt, %add3A_7, %lt3A : i32
    %convert_element_type3A = arith.extui %lt3A_10 : i1 to i32
    %cond3A = arith.constant 0 : i32
    %cond3A_11 = arith.cmpi ne, %convert_element_type3A, %cond3A : i32
    scf.if %cond3A_11 {
      %dma_start3A = tpu.memref_slice %arg2[%mul3A_9] : memref<4294967xi32, #tpu.memory_space<hbm>> -> memref<4096xi32, #tpu.memory_space<hbm>>
      %dma_start3A_47 = tpu.memref_slice %arg2[%mul3A_9] : memref<4294967xi32, #tpu.memory_space<hbm>> -> memref<4096xi32, #tpu.memory_space<hbm>>
      tpu.enqueue_dma source(%dma_start3A_47 : memref<4096xi32, #tpu.memory_space<hbm>>) target(%arg10 : memref<4096xi32, #tpu.memory_space<vmem>>) target_semaphore(%arg24 : memref<!tpu.dma_semaphore, #tpu.memory_space<semaphore_mem>>)
      %dma_start3A_48 = tpu.memref_slice %arg3[%mul3A_9] : memref<4294967xi32, #tpu.memory_space<hbm>> -> memref<4096xi32, #tpu.memory_space<hbm>>
      %dma_start3A_49 = tpu.memref_slice %arg3[%mul3A_9] : memref<4294967xi32, #tpu.memory_space<hbm>> -> memref<4096xi32, #tpu.memory_space<hbm>>
      tpu.enqueue_dma source(%dma_start3A_49 : memref<4096xi32, #tpu.memory_space<hbm>>) target(%arg14 : memref<4096xi32, #tpu.memory_space<vmem>>) target_semaphore(%arg24 : memref<!tpu.dma_semaphore, #tpu.memory_space<semaphore_mem>>)
      %dma_start3A_50 = tpu.memref_slice %arg4[%mul3A_9] : memref<4294967xf32, #tpu.memory_space<hbm>> -> memref<4096xf32, #tpu.memory_space<hbm>>
      %dma_start3A_51 = tpu.memref_slice %arg4[%mul3A_9] : memref<4294967xf32, #tpu.memory_space<hbm>> -> memref<4096xf32, #tpu.memory_space<hbm>>
      tpu.enqueue_dma source(%dma_start3A_51 : memref<4096xf32, #tpu.memory_space<hbm>>) target(%arg16 : memref<4096xf32, #tpu.memory_space<vmem>>) target_semaphore(%arg24 : memref<!tpu.dma_semaphore, #tpu.memory_space<semaphore_mem>>)
    } else {
    }
    %eq3A = arith.constant 1048 : i32
    %eq3A_12 = arith.cmpi eq, %add3A_7, %eq3A : i32
    %convert_element_type3A_13 = arith.extui %eq3A_12 : i1 to i32
    %cond3A_14 = arith.constant 0 : i32
    %cond3A_15 = arith.cmpi ne, %convert_element_type3A_13, %cond3A_14 : i32
    scf.if %cond3A_15 {
      %dma_start3A = arith.constant 0 : i32
      %dma_start3A_47 = tpu.memref_slice %arg5[%dma_start3A] : memref<8192xi32, #tpu.memory_space<hbm>> -> memref<4096xi32, #tpu.memory_space<hbm>>
      %dma_start3A_48 = arith.constant 0 : i32
      %dma_start3A_49 = tpu.memref_slice %arg5[%dma_start3A_48] : memref<8192xi32, #tpu.memory_space<hbm>> -> memref<4096xi32, #tpu.memory_space<hbm>>
      tpu.enqueue_dma source(%dma_start3A_49 : memref<4096xi32, #tpu.memory_space<hbm>>) target(%arg10 : memref<4096xi32, #tpu.memory_space<vmem>>) target_semaphore(%arg24 : memref<!tpu.dma_semaphore, #tpu.memory_space<semaphore_mem>>)
      %dma_start3A_50 = arith.constant 4096 : i32
      %dma_start3A_51 = tpu.memref_slice %arg5[%dma_start3A_50] : memref<8192xi32, #tpu.memory_space<hbm>> -> memref<4096xi32, #tpu.memory_space<hbm>>
      %dma_start3A_52 = arith.constant 4096 : i32
      %dma_start3A_53 = tpu.memref_slice %arg5[%dma_start3A_52] : memref<8192xi32, #tpu.memory_space<hbm>> -> memref<4096xi32, #tpu.memory_space<hbm>>
      tpu.enqueue_dma source(%dma_start3A_53 : memref<4096xi32, #tpu.memory_space<hbm>>) target(%arg14 : memref<4096xi32, #tpu.memory_space<vmem>>) target_semaphore(%arg24 : memref<!tpu.dma_semaphore, #tpu.memory_space<semaphore_mem>>)
      tpu.enqueue_dma source(%arg6 : memref<4096xf32, #tpu.memory_space<hbm>>) target(%arg16 : memref<4096xf32, #tpu.memory_space<vmem>>) target_semaphore(%arg24 : memref<!tpu.dma_semaphore, #tpu.memory_space<semaphore_mem>>)
    } else {
    }
    %scan3A = arith.constant 0 : i32
    %scan3A_16 = arith.constant 0 : i32
    %scan3A_17 = arith.constant 9 : i32
    %scan3A_18 = arith.addi %scan3A_16, %scan3A_17 : i32
    %scan3A_19 = arith.constant 1 : i32
    scf.for %scan3A_47 = %scan3A_16 to %scan3A_18 step %scan3A_19  : i32 {
      %mul3A_48 = arith.constant 4 : i32
      %mul3A_49 = arith.muli %scan3A_47, %mul3A_48 : i32
      %add3A_50 = arith.constant 0 : i32
      %add3A_51 = arith.addi %mul3A_49, %add3A_50 : i32
      %sub3A = arith.constant 3 : i32
      %sub3A_52 = arith.subi %add3A_51, %sub3A : i32
      %mul3A_53 = arith.constant 32 : i32
      %mul3A_54 = arith.muli %sub3A_52, %mul3A_53 : i32
      %add3A_55 = arith.addi %mul3A_54, %add3A : i32
      %ge3A = arith.constant 0 : i32
      %ge3A_56 = arith.cmpi sge, %sub3A_52, %ge3A : i32
      %le3A_57 = arith.constant 1048 : i32
      %le3A_58 = arith.cmpi sle, %add3A_55, %le3A_57 : i32
      %and3A_59 = arith.andi %ge3A_56, %le3A_58 : i1
      %convert_element_type3A_60 = arith.extui %and3A_59 : i1 to i32
      %cond3A_61 = arith.constant 0 : i32
      %cond3A_62 = arith.cmpi ne, %convert_element_type3A_60, %cond3A_61 : i32
      scf.if %cond3A_62 {
        %dma_wait3A = arith.constant 0 : i32
        %dma_wait3A_246 = tpu.memref_slice %arg22[%dma_wait3A] : memref<65536xf32, #tpu.memory_space<vmem_shared>> -> memref<65536xf32, #tpu.memory_space<vmem_shared>>
        tpu.wait_indirect_dma semaphore(%arg27 : memref<!tpu.dma_semaphore, #tpu.memory_space<semaphore_mem>>) src(%arg19 : memref<4096xf32, #tpu.memory_space<vmem>>) dst(%dma_wait3A_246 : memref<65536xf32, #tpu.memory_space<vmem_shared>>)
      } else {
      }
      %add3A_63 = arith.constant 1 : i32
      %add3A_64 = arith.addi %add3A_51, %add3A_63 : i32
      %mul3A_65 = arith.constant 32 : i32
      %mul3A_66 = arith.muli %add3A_64, %mul3A_65 : i32
      %add3A_67 = arith.addi %mul3A_66, %add3A : i32
      %mul3A_68 = arith.constant 4096 : i32
      %mul3A_69 = arith.muli %add3A_67, %mul3A_68 : i32
      %lt3A_70 = arith.constant 1048 : i32
      %lt3A_71 = arith.cmpi slt, %add3A_67, %lt3A_70 : i32
      %convert_element_type3A_72 = arith.extui %lt3A_71 : i1 to i32
      %cond3A_73 = arith.constant 0 : i32
      %cond3A_74 = arith.cmpi ne, %convert_element_type3A_72, %cond3A_73 : i32
      scf.if %cond3A_74 {
        %dma_start3A = tpu.memref_slice %arg2[%mul3A_69] : memref<4294967xi32, #tpu.memory_space<hbm>> -> memref<4096xi32, #tpu.memory_space<hbm>>
        %dma_start3A_246 = tpu.memref_slice %arg2[%mul3A_69] : memref<4294967xi32, #tpu.memory_space<hbm>> -> memref<4096xi32, #tpu.memory_space<hbm>>
        tpu.enqueue_dma source(%dma_start3A_246 : memref<4096xi32, #tpu.memory_space<hbm>>) target(%arg11 : memref<4096xi32, #tpu.memory_space<vmem>>) target_semaphore(%arg25 : memref<!tpu.dma_semaphore, #tpu.memory_space<semaphore_mem>>)
        %dma_start3A_247 = tpu.memref_slice %arg3[%mul3A_69] : memref<4294967xi32, #tpu.memory_space<hbm>> -> memref<4096xi32, #tpu.memory_space<hbm>>
        %dma_start3A_248 = tpu.memref_slice %arg3[%mul3A_69] : memref<4294967xi32, #tpu.memory_space<hbm>> -> memref<4096xi32, #tpu.memory_space<hbm>>
        tpu.enqueue_dma source(%dma_start3A_248 : memref<4096xi32, #tpu.memory_space<hbm>>) target(%arg15 : memref<4096xi32, #tpu.memory_space<vmem>>) target_semaphore(%arg25 : memref<!tpu.dma_semaphore, #tpu.memory_space<semaphore_mem>>)
        %dma_start3A_249 = tpu.memref_slice %arg4[%mul3A_69] : memref<4294967xf32, #tpu.memory_space<hbm>> -> memref<4096xf32, #tpu.memory_space<hbm>>
        %dma_start3A_250 = tpu.memref_slice %arg4[%mul3A_69] : memref<4294967xf32, #tpu.memory_space<hbm>> -> memref<4096xf32, #tpu.memory_space<hbm>>
        tpu.enqueue_dma source(%dma_start3A_250 : memref<4096xf32, #tpu.memory_space<hbm>>) target(%arg17 : memref<4096xf32, #tpu.memory_space<vmem>>) target_semaphore(%arg25 : memref<!tpu.dma_semaphore, #tpu.memory_space<semaphore_mem>>)
      } else {
      }
      %eq3A_75 = arith.constant 1048 : i32
      %eq3A_76 = arith.cmpi eq, %add3A_67, %eq3A_75 : i32
      %convert_element_type3A_77 = arith.extui %eq3A_76 : i1 to i32
      %cond3A_78 = arith.constant 0 : i32
      %cond3A_79 = arith.cmpi ne, %convert_element_type3A_77, %cond3A_78 : i32
      scf.if %cond3A_79 {
        %dma_start3A = arith.constant 0 : i32
        %dma_start3A_246 = tpu.memref_slice %arg5[%dma_start3A] : memref<8192xi32, #tpu.memory_space<hbm>> -> memref<4096xi32, #tpu.memory_space<hbm>>
        %dma_start3A_247 = arith.constant 0 : i32
        %dma_start3A_248 = tpu.memref_slice %arg5[%dma_start3A_247] : memref<8192xi32, #tpu.memory_space<hbm>> -> memref<4096xi32, #tpu.memory_space<hbm>>
        tpu.enqueue_dma source(%dma_start3A_248 : memref<4096xi32, #tpu.memory_space<hbm>>) target(%arg11 : memref<4096xi32, #tpu.memory_space<vmem>>) target_semaphore(%arg25 : memref<!tpu.dma_semaphore, #tpu.memory_space<semaphore_mem>>)
        %dma_start3A_249 = arith.constant 4096 : i32
        %dma_start3A_250 = tpu.memref_slice %arg5[%dma_start3A_249] : memref<8192xi32, #tpu.memory_space<hbm>> -> memref<4096xi32, #tpu.memory_space<hbm>>
        %dma_start3A_251 = arith.constant 4096 : i32
        %dma_start3A_252 = tpu.memref_slice %arg5[%dma_start3A_251] : memref<8192xi32, #tpu.memory_space<hbm>> -> memref<4096xi32, #tpu.memory_space<hbm>>
        tpu.enqueue_dma source(%dma_start3A_252 : memref<4096xi32, #tpu.memory_space<hbm>>) target(%arg15 : memref<4096xi32, #tpu.memory_space<vmem>>) target_semaphore(%arg25 : memref<!tpu.dma_semaphore, #tpu.memory_space<semaphore_mem>>)
        tpu.enqueue_dma source(%arg6 : memref<4096xf32, #tpu.memory_space<hbm>>) target(%arg17 : memref<4096xf32, #tpu.memory_space<vmem>>) target_semaphore(%arg25 : memref<!tpu.dma_semaphore, #tpu.memory_space<semaphore_mem>>)
      } else {
      }
      %mul3A_80 = arith.constant 32 : i32
      %mul3A_81 = arith.muli %add3A_51, %mul3A_80 : i32
      %add3A_82 = arith.addi %mul3A_81, %add3A : i32
      %le3A_83 = arith.constant 1048 : i32
      %le3A_84 = arith.cmpi sle, %add3A_82, %le3A_83 : i32
      %convert_element_type3A_85 = arith.extui %le3A_84 : i1 to i32
      %cond3A_86 = arith.constant 0 : i32
      %cond3A_87 = arith.cmpi ne, %convert_element_type3A_85, %cond3A_86 : i32
      scf.if %cond3A_87 {
        %dma_wait3A = arith.constant 0 : i32
        %dma_wait3A_246 = tpu.memref_slice %arg2[%dma_wait3A] : memref<4294967xi32, #tpu.memory_space<hbm>> -> memref<4096xi32, #tpu.memory_space<hbm>>
        %dma_wait3A_247 = arith.constant 0 : i32
        %dma_wait3A_248 = tpu.memref_slice %arg2[%dma_wait3A_247] : memref<4294967xi32, #tpu.memory_space<hbm>> -> memref<4096xi32, #tpu.memory_space<hbm>>
        tpu.wait_dma2 semaphore(%arg24 : memref<!tpu.dma_semaphore, #tpu.memory_space<semaphore_mem>>) src(%dma_wait3A_248 : memref<4096xi32, #tpu.memory_space<hbm>>) dst(%arg10 : memref<4096xi32, #tpu.memory_space<vmem>>)
        %dma_wait3A_249 = arith.constant 0 : i32
        %dma_wait3A_250 = tpu.memref_slice %arg3[%dma_wait3A_249] : memref<4294967xi32, #tpu.memory_space<hbm>> -> memref<4096xi32, #tpu.memory_space<hbm>>
        %dma_wait3A_251 = arith.constant 0 : i32
        %dma_wait3A_252 = tpu.memref_slice %arg3[%dma_wait3A_251] : memref<4294967xi32, #tpu.memory_space<hbm>> -> memref<4096xi32, #tpu.memory_space<hbm>>
        tpu.wait_dma2 semaphore(%arg24 : memref<!tpu.dma_semaphore, #tpu.memory_space<semaphore_mem>>) src(%dma_wait3A_252 : memref<4096xi32, #tpu.memory_space<hbm>>) dst(%arg14 : memref<4096xi32, #tpu.memory_space<vmem>>)
        %dma_wait3A_253 = arith.constant 0 : i32
        %dma_wait3A_254 = tpu.memref_slice %arg4[%dma_wait3A_253] : memref<4294967xf32, #tpu.memory_space<hbm>> -> memref<4096xf32, #tpu.memory_space<hbm>>
        %dma_wait3A_255 = arith.constant 0 : i32
        %dma_wait3A_256 = tpu.memref_slice %arg4[%dma_wait3A_255] : memref<4294967xf32, #tpu.memory_space<hbm>> -> memref<4096xf32, #tpu.memory_space<hbm>>
        tpu.wait_dma2 semaphore(%arg24 : memref<!tpu.dma_semaphore, #tpu.memory_space<semaphore_mem>>) src(%dma_wait3A_256 : memref<4096xf32, #tpu.memory_space<hbm>>) dst(%arg16 : memref<4096xf32, #tpu.memory_space<vmem>>)
      } else {
      }
      %mul3A_88 = arith.constant 32 : i32
      %mul3A_89 = arith.muli %add3A_51, %mul3A_88 : i32
      %add3A_90 = arith.addi %mul3A_89, %add3A : i32
      %le3A_91 = arith.constant 1048 : i32
      %le3A_92 = arith.cmpi sle, %add3A_90, %le3A_91 : i32
      %convert_element_type3A_93 = arith.extui %le3A_92 : i1 to i32
      %cond3A_94 = arith.constant 0 : i32
      %cond3A_95 = arith.cmpi ne, %convert_element_type3A_93, %cond3A_94 : i32
      scf.if %cond3A_95 {
        %parallel_loop3A_246 = arith.constant 0 : i32
        %parallel_loop3A_247 = arith.constant 256 : i32
        %parallel_loop3A_248 = arith.constant 1 : i32
        scf.for %parallel_loop3A_250 = %parallel_loop3A_246 to %parallel_loop3A_247 step %parallel_loop3A_248  : i32 {
          %parallel_loop3A_251 = arith.constant 16 : i32
          %parallel_loop3A_252 = arith.muli %parallel_loop3A_250, %parallel_loop3A_251 : i32
          %parallel_loop3A_253 = arith.index_cast %parallel_loop3A_252 : i32 to index
          %parallel_loop3A_254 = tpu.vector_load %arg14[%parallel_loop3A_253] {strides = array<i32>} : memref<4096xi32, #tpu.memory_space<vmem>>, vector<16xi32>,
          %parallel_loop3A_255 = tpu.vector_load_idx %arg9[%parallel_loop3A_254] : memref<65536xf32, #tpu.memory_space<vmem>>[vector<16xi32>], vector<16xf32>,
          %parallel_loop3A_256 = arith.index_cast %parallel_loop3A_252 : i32 to index
          %parallel_loop3A_257 = tpu.vector_load %arg16[%parallel_loop3A_256] {strides = array<i32>} : memref<4096xf32, #tpu.memory_space<vmem>>, vector<16xf32>,
          %parallel_loop3A_258 = arith.mulf %parallel_loop3A_255, %parallel_loop3A_257 : vector<16xf32>
          %parallel_loop3A_259 = arith.index_cast %parallel_loop3A_252 : i32 to index
          %parallel_loop3A_260 = tpu.vector_load %arg18[%parallel_loop3A_259] {strides = array<i32>} : memref<4096xf32, #tpu.memory_space<vmem>>, vector<16xf32>,
          tpu.vector_store %arg18[%parallel_loop3A_259], %parallel_loop3A_258 {strides = array<i32>} : memref<4096xf32, #tpu.memory_space<vmem>>, vector<16xf32>,
        } {sc.loop_unroll_factor = 8 : i64, sc.parallel_access}
        %dma_start3A = arith.constant 0 : i32
        %dma_start3A_249 = tpu.memref_slice %arg22[%dma_start3A] : memref<65536xf32, #tpu.memory_space<vmem_shared>> -> memref<65536xf32, #tpu.memory_space<vmem_shared>>
        tpu.enqueue_indirect_dma source(%arg18 : memref<4096xf32, #tpu.memory_space<vmem>>) target(%dma_start3A_249 : memref<65536xf32, #tpu.memory_space<vmem_shared>>) offsets(%arg10 : memref<4096xi32, #tpu.memory_space<vmem>>) semaphore(%arg26 : memref<!tpu.dma_semaphore, #tpu.memory_space<semaphore_mem>>) {add = true}
      } else {
      }
      %mul3A_96 = arith.constant 4 : i32
      %mul3A_97 = arith.muli %scan3A_47, %mul3A_96 : i32
      %add3A_98 = arith.constant 1 : i32
      %add3A_99 = arith.addi %mul3A_97, %add3A_98 : i32
      %sub3A_100 = arith.constant 3 : i32
      %sub3A_101 = arith.subi %add3A_99, %sub3A_100 : i32
      %mul3A_102 = arith.constant 32 : i32
      %mul3A_103 = arith.muli %sub3A_101, %mul3A_102 : i32
      %add3A_104 = arith.addi %mul3A_103, %add3A : i32
      %ge3A_105 = arith.constant 0 : i32
      %ge3A_106 = arith.cmpi sge, %sub3A_101, %ge3A_105 : i32
      %le3A_107 = arith.constant 1048 : i32
      %le3A_108 = arith.cmpi sle, %add3A_104, %le3A_107 : i32
      %and3A_109 = arith.andi %ge3A_106, %le3A_108 : i1
      %convert_element_type3A_110 = arith.extui %and3A_109 : i1 to i32
      %cond3A_111 = arith.constant 0 : i32
      %cond3A_112 = arith.cmpi ne, %convert_element_type3A_110, %cond3A_111 : i32
      scf.if %cond3A_112 {
        %dma_wait3A = arith.constant 0 : i32
        %dma_wait3A_246 = tpu.memref_slice %arg22[%dma_wait3A] : memref<65536xf32, #tpu.memory_space<vmem_shared>> -> memref<65536xf32, #tpu.memory_space<vmem_shared>>
        tpu.wait_indirect_dma semaphore(%arg28 : memref<!tpu.dma_semaphore, #tpu.memory_space<semaphore_mem>>) src(%arg20 : memref<4096xf32, #tpu.memory_space<vmem>>) dst(%dma_wait3A_246 : memref<65536xf32, #tpu.memory_space<vmem_shared>>)
      } else {
      }
      %add3A_113 = arith.constant 1 : i32
      %add3A_114 = arith.addi %add3A_99, %add3A_113 : i32
      %mul3A_115 = arith.constant 32 : i32
      %mul3A_116 = arith.muli %add3A_114, %mul3A_115 : i32
      %add3A_117 = arith.addi %mul3A_116, %add3A : i32
      %mul3A_118 = arith.constant 4096 : i32
      %mul3A_119 = arith.muli %add3A_117, %mul3A_118 : i32
      %lt3A_120 = arith.constant 1048 : i32
      %lt3A_121 = arith.cmpi slt, %add3A_117, %lt3A_120 : i32
      %convert_element_type3A_122 = arith.extui %lt3A_121 : i1 to i32
      %cond3A_123 = arith.constant 0 : i32
      %cond3A_124 = arith.cmpi ne, %convert_element_type3A_122, %cond3A_123 : i32
      scf.if %cond3A_124 {
        %dma_start3A = tpu.memref_slice %arg2[%mul3A_119] : memref<4294967xi32, #tpu.memory_space<hbm>> -> memref<4096xi32, #tpu.memory_space<hbm>>
        %dma_start3A_246 = tpu.memref_slice %arg2[%mul3A_119] : memref<4294967xi32, #tpu.memory_space<hbm>> -> memref<4096xi32, #tpu.memory_space<hbm>>
        tpu.enqueue_dma source(%dma_start3A_246 : memref<4096xi32, #tpu.memory_space<hbm>>) target(%arg12 : memref<4096xi32, #tpu.memory_space<vmem>>) target_semaphore(%arg24 : memref<!tpu.dma_semaphore, #tpu.memory_space<semaphore_mem>>)
        %dma_start3A_247 = tpu.memref_slice %arg3[%mul3A_119] : memref<4294967xi32, #tpu.memory_space<hbm>> -> memref<4096xi32, #tpu.memory_space<hbm>>
        %dma_start3A_248 = tpu.memref_slice %arg3[%mul3A_119] : memref<4294967xi32, #tpu.memory_space<hbm>> -> memref<4096xi32, #tpu.memory_space<hbm>>
        tpu.enqueue_dma source(%dma_start3A_248 : memref<4096xi32, #tpu.memory_space<hbm>>) target(%arg14 : memref<4096xi32, #tpu.memory_space<vmem>>) target_semaphore(%arg24 : memref<!tpu.dma_semaphore, #tpu.memory_space<semaphore_mem>>)
        %dma_start3A_249 = tpu.memref_slice %arg4[%mul3A_119] : memref<4294967xf32, #tpu.memory_space<hbm>> -> memref<4096xf32, #tpu.memory_space<hbm>>
        %dma_start3A_250 = tpu.memref_slice %arg4[%mul3A_119] : memref<4294967xf32, #tpu.memory_space<hbm>> -> memref<4096xf32, #tpu.memory_space<hbm>>
        tpu.enqueue_dma source(%dma_start3A_250 : memref<4096xf32, #tpu.memory_space<hbm>>) target(%arg16 : memref<4096xf32, #tpu.memory_space<vmem>>) target_semaphore(%arg24 : memref<!tpu.dma_semaphore, #tpu.memory_space<semaphore_mem>>)
      } else {
      }
      %eq3A_125 = arith.constant 1048 : i32
      %eq3A_126 = arith.cmpi eq, %add3A_117, %eq3A_125 : i32
      %convert_element_type3A_127 = arith.extui %eq3A_126 : i1 to i32
      %cond3A_128 = arith.constant 0 : i32
      %cond3A_129 = arith.cmpi ne, %convert_element_type3A_127, %cond3A_128 : i32
      scf.if %cond3A_129 {
        %dma_start3A = arith.constant 0 : i32
        %dma_start3A_246 = tpu.memref_slice %arg5[%dma_start3A] : memref<8192xi32, #tpu.memory_space<hbm>> -> memref<4096xi32, #tpu.memory_space<hbm>>
        %dma_start3A_247 = arith.constant 0 : i32
        %dma_start3A_248 = tpu.memref_slice %arg5[%dma_start3A_247] : memref<8192xi32, #tpu.memory_space<hbm>> -> memref<4096xi32, #tpu.memory_space<hbm>>
        tpu.enqueue_dma source(%dma_start3A_248 : memref<4096xi32, #tpu.memory_space<hbm>>) target(%arg12 : memref<4096xi32, #tpu.memory_space<vmem>>) target_semaphore(%arg24 : memref<!tpu.dma_semaphore, #tpu.memory_space<semaphore_mem>>)
        %dma_start3A_249 = arith.constant 4096 : i32
        %dma_start3A_250 = tpu.memref_slice %arg5[%dma_start3A_249] : memref<8192xi32, #tpu.memory_space<hbm>> -> memref<4096xi32, #tpu.memory_space<hbm>>
        %dma_start3A_251 = arith.constant 4096 : i32
        %dma_start3A_252 = tpu.memref_slice %arg5[%dma_start3A_251] : memref<8192xi32, #tpu.memory_space<hbm>> -> memref<4096xi32, #tpu.memory_space<hbm>>
        tpu.enqueue_dma source(%dma_start3A_252 : memref<4096xi32, #tpu.memory_space<hbm>>) target(%arg14 : memref<4096xi32, #tpu.memory_space<vmem>>) target_semaphore(%arg24 : memref<!tpu.dma_semaphore, #tpu.memory_space<semaphore_mem>>)
        tpu.enqueue_dma source(%arg6 : memref<4096xf32, #tpu.memory_space<hbm>>) target(%arg16 : memref<4096xf32, #tpu.memory_space<vmem>>) target_semaphore(%arg24 : memref<!tpu.dma_semaphore, #tpu.memory_space<semaphore_mem>>)
      } else {
      }
      %mul3A_130 = arith.constant 32 : i32
      %mul3A_131 = arith.muli %add3A_99, %mul3A_130 : i32
      %add3A_132 = arith.addi %mul3A_131, %add3A : i32
      %le3A_133 = arith.constant 1048 : i32
      %le3A_134 = arith.cmpi sle, %add3A_132, %le3A_133 : i32
      %convert_element_type3A_135 = arith.extui %le3A_134 : i1 to i32
      %cond3A_136 = arith.constant 0 : i32
      %cond3A_137 = arith.cmpi ne, %convert_element_type3A_135, %cond3A_136 : i32
      scf.if %cond3A_137 {
        %dma_wait3A = arith.constant 0 : i32
        %dma_wait3A_246 = tpu.memref_slice %arg2[%dma_wait3A] : memref<4294967xi32, #tpu.memory_space<hbm>> -> memref<4096xi32, #tpu.memory_space<hbm>>
        %dma_wait3A_247 = arith.constant 0 : i32
        %dma_wait3A_248 = tpu.memref_slice %arg2[%dma_wait3A_247] : memref<4294967xi32, #tpu.memory_space<hbm>> -> memref<4096xi32, #tpu.memory_space<hbm>>
        tpu.wait_dma2 semaphore(%arg25 : memref<!tpu.dma_semaphore, #tpu.memory_space<semaphore_mem>>) src(%dma_wait3A_248 : memref<4096xi32, #tpu.memory_space<hbm>>) dst(%arg11 : memref<4096xi32, #tpu.memory_space<vmem>>)
        %dma_wait3A_249 = arith.constant 0 : i32
        %dma_wait3A_250 = tpu.memref_slice %arg3[%dma_wait3A_249] : memref<4294967xi32, #tpu.memory_space<hbm>> -> memref<4096xi32, #tpu.memory_space<hbm>>
        %dma_wait3A_251 = arith.constant 0 : i32
        %dma_wait3A_252 = tpu.memref_slice %arg3[%dma_wait3A_251] : memref<4294967xi32, #tpu.memory_space<hbm>> -> memref<4096xi32, #tpu.memory_space<hbm>>
        tpu.wait_dma2 semaphore(%arg25 : memref<!tpu.dma_semaphore, #tpu.memory_space<semaphore_mem>>) src(%dma_wait3A_252 : memref<4096xi32, #tpu.memory_space<hbm>>) dst(%arg15 : memref<4096xi32, #tpu.memory_space<vmem>>)
        %dma_wait3A_253 = arith.constant 0 : i32
        %dma_wait3A_254 = tpu.memref_slice %arg4[%dma_wait3A_253] : memref<4294967xf32, #tpu.memory_space<hbm>> -> memref<4096xf32, #tpu.memory_space<hbm>>
        %dma_wait3A_255 = arith.constant 0 : i32
        %dma_wait3A_256 = tpu.memref_slice %arg4[%dma_wait3A_255] : memref<4294967xf32, #tpu.memory_space<hbm>> -> memref<4096xf32, #tpu.memory_space<hbm>>
        tpu.wait_dma2 semaphore(%arg25 : memref<!tpu.dma_semaphore, #tpu.memory_space<semaphore_mem>>) src(%dma_wait3A_256 : memref<4096xf32, #tpu.memory_space<hbm>>) dst(%arg17 : memref<4096xf32, #tpu.memory_space<vmem>>)
      } else {
      }
      %mul3A_138 = arith.constant 32 : i32
      %mul3A_139 = arith.muli %add3A_99, %mul3A_138 : i32
      %add3A_140 = arith.addi %mul3A_139, %add3A : i32
      %le3A_141 = arith.constant 1048 : i32
      %le3A_142 = arith.cmpi sle, %add3A_140, %le3A_141 : i32
      %convert_element_type3A_143 = arith.extui %le3A_142 : i1 to i32
      %cond3A_144 = arith.constant 0 : i32
      %cond3A_145 = arith.cmpi ne, %convert_element_type3A_143, %cond3A_144 : i32
      scf.if %cond3A_145 {
        %parallel_loop3A_246 = arith.constant 0 : i32
        %parallel_loop3A_247 = arith.constant 256 : i32
        %parallel_loop3A_248 = arith.constant 1 : i32
        scf.for %parallel_loop3A_250 = %parallel_loop3A_246 to %parallel_loop3A_247 step %parallel_loop3A_248  : i32 {
          %parallel_loop3A_251 = arith.constant 16 : i32
          %parallel_loop3A_252 = arith.muli %parallel_loop3A_250, %parallel_loop3A_251 : i32
          %parallel_loop3A_253 = arith.index_cast %parallel_loop3A_252 : i32 to index
          %parallel_loop3A_254 = tpu.vector_load %arg15[%parallel_loop3A_253] {strides = array<i32>} : memref<4096xi32, #tpu.memory_space<vmem>>, vector<16xi32>,
          %parallel_loop3A_255 = tpu.vector_load_idx %arg9[%parallel_loop3A_254] : memref<65536xf32, #tpu.memory_space<vmem>>[vector<16xi32>], vector<16xf32>,
          %parallel_loop3A_256 = arith.index_cast %parallel_loop3A_252 : i32 to index
          %parallel_loop3A_257 = tpu.vector_load %arg17[%parallel_loop3A_256] {strides = array<i32>} : memref<4096xf32, #tpu.memory_space<vmem>>, vector<16xf32>,
          %parallel_loop3A_258 = arith.mulf %parallel_loop3A_255, %parallel_loop3A_257 : vector<16xf32>
          %parallel_loop3A_259 = arith.index_cast %parallel_loop3A_252 : i32 to index
          %parallel_loop3A_260 = tpu.vector_load %arg19[%parallel_loop3A_259] {strides = array<i32>} : memref<4096xf32, #tpu.memory_space<vmem>>, vector<16xf32>,
          tpu.vector_store %arg19[%parallel_loop3A_259], %parallel_loop3A_258 {strides = array<i32>} : memref<4096xf32, #tpu.memory_space<vmem>>, vector<16xf32>,
        } {sc.loop_unroll_factor = 8 : i64, sc.parallel_access}
        %dma_start3A = arith.constant 0 : i32
        %dma_start3A_249 = tpu.memref_slice %arg22[%dma_start3A] : memref<65536xf32, #tpu.memory_space<vmem_shared>> -> memref<65536xf32, #tpu.memory_space<vmem_shared>>
        tpu.enqueue_indirect_dma source(%arg19 : memref<4096xf32, #tpu.memory_space<vmem>>) target(%dma_start3A_249 : memref<65536xf32, #tpu.memory_space<vmem_shared>>) offsets(%arg11 : memref<4096xi32, #tpu.memory_space<vmem>>) semaphore(%arg27 : memref<!tpu.dma_semaphore, #tpu.memory_space<semaphore_mem>>) {add = true}
      } else {
      }
      %mul3A_146 = arith.constant 4 : i32
      %mul3A_147 = arith.muli %scan3A_47, %mul3A_146 : i32
      %add3A_148 = arith.constant 2 : i32
      %add3A_149 = arith.addi %mul3A_147, %add3A_148 : i32
      %sub3A_150 = arith.constant 3 : i32
      %sub3A_151 = arith.subi %add3A_149, %sub3A_150 : i32
      %mul3A_152 = arith.constant 32 : i32
      %mul3A_153 = arith.muli %sub3A_151, %mul3A_152 : i32
      %add3A_154 = arith.addi %mul3A_153, %add3A : i32
      %ge3A_155 = arith.constant 0 : i32
      %ge3A_156 = arith.cmpi sge, %sub3A_151, %ge3A_155 : i32
      %le3A_157 = arith.constant 1048 : i32
      %le3A_158 = arith.cmpi sle, %add3A_154, %le3A_157 : i32
      %and3A_159 = arith.andi %ge3A_156, %le3A_158 : i1
      %convert_element_type3A_160 = arith.extui %and3A_159 : i1 to i32
      %cond3A_161 = arith.constant 0 : i32
      %cond3A_162 = arith.cmpi ne, %convert_element_type3A_160, %cond3A_161 : i32
      scf.if %cond3A_162 {
        %dma_wait3A = arith.constant 0 : i32
        %dma_wait3A_246 = tpu.memref_slice %arg22[%dma_wait3A] : memref<65536xf32, #tpu.memory_space<vmem_shared>> -> memref<65536xf32, #tpu.memory_space<vmem_shared>>
        tpu.wait_indirect_dma semaphore(%arg29 : memref<!tpu.dma_semaphore, #tpu.memory_space<semaphore_mem>>) src(%arg21 : memref<4096xf32, #tpu.memory_space<vmem>>) dst(%dma_wait3A_246 : memref<65536xf32, #tpu.memory_space<vmem_shared>>)
      } else {
      }
      %add3A_163 = arith.constant 1 : i32
      %add3A_164 = arith.addi %add3A_149, %add3A_163 : i32
      %mul3A_165 = arith.constant 32 : i32
      %mul3A_166 = arith.muli %add3A_164, %mul3A_165 : i32
      %add3A_167 = arith.addi %mul3A_166, %add3A : i32
      %mul3A_168 = arith.constant 4096 : i32
      %mul3A_169 = arith.muli %add3A_167, %mul3A_168 : i32
      %lt3A_170 = arith.constant 1048 : i32
      %lt3A_171 = arith.cmpi slt, %add3A_167, %lt3A_170 : i32
      %convert_element_type3A_172 = arith.extui %lt3A_171 : i1 to i32
      %cond3A_173 = arith.constant 0 : i32
      %cond3A_174 = arith.cmpi ne, %convert_element_type3A_172, %cond3A_173 : i32
      scf.if %cond3A_174 {
        %dma_start3A = tpu.memref_slice %arg2[%mul3A_169] : memref<4294967xi32, #tpu.memory_space<hbm>> -> memref<4096xi32, #tpu.memory_space<hbm>>
        %dma_start3A_246 = tpu.memref_slice %arg2[%mul3A_169] : memref<4294967xi32, #tpu.memory_space<hbm>> -> memref<4096xi32, #tpu.memory_space<hbm>>
        tpu.enqueue_dma source(%dma_start3A_246 : memref<4096xi32, #tpu.memory_space<hbm>>) target(%arg13 : memref<4096xi32, #tpu.memory_space<vmem>>) target_semaphore(%arg25 : memref<!tpu.dma_semaphore, #tpu.memory_space<semaphore_mem>>)
        %dma_start3A_247 = tpu.memref_slice %arg3[%mul3A_169] : memref<4294967xi32, #tpu.memory_space<hbm>> -> memref<4096xi32, #tpu.memory_space<hbm>>
        %dma_start3A_248 = tpu.memref_slice %arg3[%mul3A_169] : memref<4294967xi32, #tpu.memory_space<hbm>> -> memref<4096xi32, #tpu.memory_space<hbm>>
        tpu.enqueue_dma source(%dma_start3A_248 : memref<4096xi32, #tpu.memory_space<hbm>>) target(%arg15 : memref<4096xi32, #tpu.memory_space<vmem>>) target_semaphore(%arg25 : memref<!tpu.dma_semaphore, #tpu.memory_space<semaphore_mem>>)
        %dma_start3A_249 = tpu.memref_slice %arg4[%mul3A_169] : memref<4294967xf32, #tpu.memory_space<hbm>> -> memref<4096xf32, #tpu.memory_space<hbm>>
        %dma_start3A_250 = tpu.memref_slice %arg4[%mul3A_169] : memref<4294967xf32, #tpu.memory_space<hbm>> -> memref<4096xf32, #tpu.memory_space<hbm>>
        tpu.enqueue_dma source(%dma_start3A_250 : memref<4096xf32, #tpu.memory_space<hbm>>) target(%arg17 : memref<4096xf32, #tpu.memory_space<vmem>>) target_semaphore(%arg25 : memref<!tpu.dma_semaphore, #tpu.memory_space<semaphore_mem>>)
      } else {
      }
      %eq3A_175 = arith.constant 1048 : i32
      %eq3A_176 = arith.cmpi eq, %add3A_167, %eq3A_175 : i32
      %convert_element_type3A_177 = arith.extui %eq3A_176 : i1 to i32
      %cond3A_178 = arith.constant 0 : i32
      %cond3A_179 = arith.cmpi ne, %convert_element_type3A_177, %cond3A_178 : i32
      scf.if %cond3A_179 {
        %dma_start3A = arith.constant 0 : i32
        %dma_start3A_246 = tpu.memref_slice %arg5[%dma_start3A] : memref<8192xi32, #tpu.memory_space<hbm>> -> memref<4096xi32, #tpu.memory_space<hbm>>
        %dma_start3A_247 = arith.constant 0 : i32
        %dma_start3A_248 = tpu.memref_slice %arg5[%dma_start3A_247] : memref<8192xi32, #tpu.memory_space<hbm>> -> memref<4096xi32, #tpu.memory_space<hbm>>
        tpu.enqueue_dma source(%dma_start3A_248 : memref<4096xi32, #tpu.memory_space<hbm>>) target(%arg13 : memref<4096xi32, #tpu.memory_space<vmem>>) target_semaphore(%arg25 : memref<!tpu.dma_semaphore, #tpu.memory_space<semaphore_mem>>)
        %dma_start3A_249 = arith.constant 4096 : i32
        %dma_start3A_250 = tpu.memref_slice %arg5[%dma_start3A_249] : memref<8192xi32, #tpu.memory_space<hbm>> -> memref<4096xi32, #tpu.memory_space<hbm>>
        %dma_start3A_251 = arith.constant 4096 : i32
        %dma_start3A_252 = tpu.memref_slice %arg5[%dma_start3A_251] : memref<8192xi32, #tpu.memory_space<hbm>> -> memref<4096xi32, #tpu.memory_space<hbm>>
        tpu.enqueue_dma source(%dma_start3A_252 : memref<4096xi32, #tpu.memory_space<hbm>>) target(%arg15 : memref<4096xi32, #tpu.memory_space<vmem>>) target_semaphore(%arg25 : memref<!tpu.dma_semaphore, #tpu.memory_space<semaphore_mem>>)
        tpu.enqueue_dma source(%arg6 : memref<4096xf32, #tpu.memory_space<hbm>>) target(%arg17 : memref<4096xf32, #tpu.memory_space<vmem>>) target_semaphore(%arg25 : memref<!tpu.dma_semaphore, #tpu.memory_space<semaphore_mem>>)
      } else {
      }
      %mul3A_180 = arith.constant 32 : i32
      %mul3A_181 = arith.muli %add3A_149, %mul3A_180 : i32
      %add3A_182 = arith.addi %mul3A_181, %add3A : i32
      %le3A_183 = arith.constant 1048 : i32
      %le3A_184 = arith.cmpi sle, %add3A_182, %le3A_183 : i32
      %convert_element_type3A_185 = arith.extui %le3A_184 : i1 to i32
      %cond3A_186 = arith.constant 0 : i32
      %cond3A_187 = arith.cmpi ne, %convert_element_type3A_185, %cond3A_186 : i32
      scf.if %cond3A_187 {
        %dma_wait3A = arith.constant 0 : i32
        %dma_wait3A_246 = tpu.memref_slice %arg2[%dma_wait3A] : memref<4294967xi32, #tpu.memory_space<hbm>> -> memref<4096xi32, #tpu.memory_space<hbm>>
        %dma_wait3A_247 = arith.constant 0 : i32
        %dma_wait3A_248 = tpu.memref_slice %arg2[%dma_wait3A_247] : memref<4294967xi32, #tpu.memory_space<hbm>> -> memref<4096xi32, #tpu.memory_space<hbm>>
        tpu.wait_dma2 semaphore(%arg24 : memref<!tpu.dma_semaphore, #tpu.memory_space<semaphore_mem>>) src(%dma_wait3A_248 : memref<4096xi32, #tpu.memory_space<hbm>>) dst(%arg12 : memref<4096xi32, #tpu.memory_space<vmem>>)
        %dma_wait3A_249 = arith.constant 0 : i32
        %dma_wait3A_250 = tpu.memref_slice %arg3[%dma_wait3A_249] : memref<4294967xi32, #tpu.memory_space<hbm>> -> memref<4096xi32, #tpu.memory_space<hbm>>
        %dma_wait3A_251 = arith.constant 0 : i32
        %dma_wait3A_252 = tpu.memref_slice %arg3[%dma_wait3A_251] : memref<4294967xi32, #tpu.memory_space<hbm>> -> memref<4096xi32, #tpu.memory_space<hbm>>
        tpu.wait_dma2 semaphore(%arg24 : memref<!tpu.dma_semaphore, #tpu.memory_space<semaphore_mem>>) src(%dma_wait3A_252 : memref<4096xi32, #tpu.memory_space<hbm>>) dst(%arg14 : memref<4096xi32, #tpu.memory_space<vmem>>)
        %dma_wait3A_253 = arith.constant 0 : i32
        %dma_wait3A_254 = tpu.memref_slice %arg4[%dma_wait3A_253] : memref<4294967xf32, #tpu.memory_space<hbm>> -> memref<4096xf32, #tpu.memory_space<hbm>>
        %dma_wait3A_255 = arith.constant 0 : i32
        %dma_wait3A_256 = tpu.memref_slice %arg4[%dma_wait3A_255] : memref<4294967xf32, #tpu.memory_space<hbm>> -> memref<4096xf32, #tpu.memory_space<hbm>>
        tpu.wait_dma2 semaphore(%arg24 : memref<!tpu.dma_semaphore, #tpu.memory_space<semaphore_mem>>) src(%dma_wait3A_256 : memref<4096xf32, #tpu.memory_space<hbm>>) dst(%arg16 : memref<4096xf32, #tpu.memory_space<vmem>>)
      } else {
      }
      %mul3A_188 = arith.constant 32 : i32
      %mul3A_189 = arith.muli %add3A_149, %mul3A_188 : i32
      %add3A_190 = arith.addi %mul3A_189, %add3A : i32
      %le3A_191 = arith.constant 1048 : i32
      %le3A_192 = arith.cmpi sle, %add3A_190, %le3A_191 : i32
      %convert_element_type3A_193 = arith.extui %le3A_192 : i1 to i32
      %cond3A_194 = arith.constant 0 : i32
      %cond3A_195 = arith.cmpi ne, %convert_element_type3A_193, %cond3A_194 : i32
      scf.if %cond3A_195 {
        %parallel_loop3A_246 = arith.constant 0 : i32
        %parallel_loop3A_247 = arith.constant 256 : i32
        %parallel_loop3A_248 = arith.constant 1 : i32
        scf.for %parallel_loop3A_250 = %parallel_loop3A_246 to %parallel_loop3A_247 step %parallel_loop3A_248  : i32 {
          %parallel_loop3A_251 = arith.constant 16 : i32
          %parallel_loop3A_252 = arith.muli %parallel_loop3A_250, %parallel_loop3A_251 : i32
          %parallel_loop3A_253 = arith.index_cast %parallel_loop3A_252 : i32 to index
          %parallel_loop3A_254 = tpu.vector_load %arg14[%parallel_loop3A_253] {strides = array<i32>} : memref<4096xi32, #tpu.memory_space<vmem>>, vector<16xi32>,
          %parallel_loop3A_255 = tpu.vector_load_idx %arg9[%parallel_loop3A_254] : memref<65536xf32, #tpu.memory_space<vmem>>[vector<16xi32>], vector<16xf32>,
          %parallel_loop3A_256 = arith.index_cast %parallel_loop3A_252 : i32 to index
          %parallel_loop3A_257 = tpu.vector_load %arg16[%parallel_loop3A_256] {strides = array<i32>} : memref<4096xf32, #tpu.memory_space<vmem>>, vector<16xf32>,
          %parallel_loop3A_258 = arith.mulf %parallel_loop3A_255, %parallel_loop3A_257 : vector<16xf32>
          %parallel_loop3A_259 = arith.index_cast %parallel_loop3A_252 : i32 to index
          %parallel_loop3A_260 = tpu.vector_load %arg20[%parallel_loop3A_259] {strides = array<i32>} : memref<4096xf32, #tpu.memory_space<vmem>>, vector<16xf32>,
          tpu.vector_store %arg20[%parallel_loop3A_259], %parallel_loop3A_258 {strides = array<i32>} : memref<4096xf32, #tpu.memory_space<vmem>>, vector<16xf32>,
        } {sc.loop_unroll_factor = 8 : i64, sc.parallel_access}
        %dma_start3A = arith.constant 0 : i32
        %dma_start3A_249 = tpu.memref_slice %arg22[%dma_start3A] : memref<65536xf32, #tpu.memory_space<vmem_shared>> -> memref<65536xf32, #tpu.memory_space<vmem_shared>>
        tpu.enqueue_indirect_dma source(%arg20 : memref<4096xf32, #tpu.memory_space<vmem>>) target(%dma_start3A_249 : memref<65536xf32, #tpu.memory_space<vmem_shared>>) offsets(%arg12 : memref<4096xi32, #tpu.memory_space<vmem>>) semaphore(%arg28 : memref<!tpu.dma_semaphore, #tpu.memory_space<semaphore_mem>>) {add = true}
      } else {
      }
      %mul3A_196 = arith.constant 4 : i32
      %mul3A_197 = arith.muli %scan3A_47, %mul3A_196 : i32
      %add3A_198 = arith.constant 3 : i32
      %add3A_199 = arith.addi %mul3A_197, %add3A_198 : i32
      %sub3A_200 = arith.constant 3 : i32
      %sub3A_201 = arith.subi %add3A_199, %sub3A_200 : i32
      %mul3A_202 = arith.constant 32 : i32
      %mul3A_203 = arith.muli %sub3A_201, %mul3A_202 : i32
      %add3A_204 = arith.addi %mul3A_203, %add3A : i32
      %ge3A_205 = arith.constant 0 : i32
      %ge3A_206 = arith.cmpi sge, %sub3A_201, %ge3A_205 : i32
      %le3A_207 = arith.constant 1048 : i32
      %le3A_208 = arith.cmpi sle, %add3A_204, %le3A_207 : i32
      %and3A_209 = arith.andi %ge3A_206, %le3A_208 : i1
      %convert_element_type3A_210 = arith.extui %and3A_209 : i1 to i32
      %cond3A_211 = arith.constant 0 : i32
      %cond3A_212 = arith.cmpi ne, %convert_element_type3A_210, %cond3A_211 : i32
      scf.if %cond3A_212 {
        %dma_wait3A = arith.constant 0 : i32
        %dma_wait3A_246 = tpu.memref_slice %arg22[%dma_wait3A] : memref<65536xf32, #tpu.memory_space<vmem_shared>> -> memref<65536xf32, #tpu.memory_space<vmem_shared>>
        tpu.wait_indirect_dma semaphore(%arg26 : memref<!tpu.dma_semaphore, #tpu.memory_space<semaphore_mem>>) src(%arg18 : memref<4096xf32, #tpu.memory_space<vmem>>) dst(%dma_wait3A_246 : memref<65536xf32, #tpu.memory_space<vmem_shared>>)
      } else {
      }
      %add3A_213 = arith.constant 1 : i32
      %add3A_214 = arith.addi %add3A_199, %add3A_213 : i32
      %mul3A_215 = arith.constant 32 : i32
      %mul3A_216 = arith.muli %add3A_214, %mul3A_215 : i32
      %add3A_217 = arith.addi %mul3A_216, %add3A : i32
      %mul3A_218 = arith.constant 4096 : i32
      %mul3A_219 = arith.muli %add3A_217, %mul3A_218 : i32
      %lt3A_220 = arith.constant 1048 : i32
      %lt3A_221 = arith.cmpi slt, %add3A_217, %lt3A_220 : i32
      %convert_element_type3A_222 = arith.extui %lt3A_221 : i1 to i32
      %cond3A_223 = arith.constant 0 : i32
      %cond3A_224 = arith.cmpi ne, %convert_element_type3A_222, %cond3A_223 : i32
      scf.if %cond3A_224 {
        %dma_start3A = tpu.memref_slice %arg2[%mul3A_219] : memref<4294967xi32, #tpu.memory_space<hbm>> -> memref<4096xi32, #tpu.memory_space<hbm>>
        %dma_start3A_246 = tpu.memref_slice %arg2[%mul3A_219] : memref<4294967xi32, #tpu.memory_space<hbm>> -> memref<4096xi32, #tpu.memory_space<hbm>>
        tpu.enqueue_dma source(%dma_start3A_246 : memref<4096xi32, #tpu.memory_space<hbm>>) target(%arg10 : memref<4096xi32, #tpu.memory_space<vmem>>) target_semaphore(%arg24 : memref<!tpu.dma_semaphore, #tpu.memory_space<semaphore_mem>>)
        %dma_start3A_247 = tpu.memref_slice %arg3[%mul3A_219] : memref<4294967xi32, #tpu.memory_space<hbm>> -> memref<4096xi32, #tpu.memory_space<hbm>>
        %dma_start3A_248 = tpu.memref_slice %arg3[%mul3A_219] : memref<4294967xi32, #tpu.memory_space<hbm>> -> memref<4096xi32, #tpu.memory_space<hbm>>
        tpu.enqueue_dma source(%dma_start3A_248 : memref<4096xi32, #tpu.memory_space<hbm>>) target(%arg14 : memref<4096xi32, #tpu.memory_space<vmem>>) target_semaphore(%arg24 : memref<!tpu.dma_semaphore, #tpu.memory_space<semaphore_mem>>)
        %dma_start3A_249 = tpu.memref_slice %arg4[%mul3A_219] : memref<4294967xf32, #tpu.memory_space<hbm>> -> memref<4096xf32, #tpu.memory_space<hbm>>
        %dma_start3A_250 = tpu.memref_slice %arg4[%mul3A_219] : memref<4294967xf32, #tpu.memory_space<hbm>> -> memref<4096xf32, #tpu.memory_space<hbm>>
        tpu.enqueue_dma source(%dma_start3A_250 : memref<4096xf32, #tpu.memory_space<hbm>>) target(%arg16 : memref<4096xf32, #tpu.memory_space<vmem>>) target_semaphore(%arg24 : memref<!tpu.dma_semaphore, #tpu.memory_space<semaphore_mem>>)
      } else {
      }
      %eq3A_225 = arith.constant 1048 : i32
      %eq3A_226 = arith.cmpi eq, %add3A_217, %eq3A_225 : i32
      %convert_element_type3A_227 = arith.extui %eq3A_226 : i1 to i32
      %cond3A_228 = arith.constant 0 : i32
      %cond3A_229 = arith.cmpi ne, %convert_element_type3A_227, %cond3A_228 : i32
      scf.if %cond3A_229 {
        %dma_start3A = arith.constant 0 : i32
        %dma_start3A_246 = tpu.memref_slice %arg5[%dma_start3A] : memref<8192xi32, #tpu.memory_space<hbm>> -> memref<4096xi32, #tpu.memory_space<hbm>>
        %dma_start3A_247 = arith.constant 0 : i32
        %dma_start3A_248 = tpu.memref_slice %arg5[%dma_start3A_247] : memref<8192xi32, #tpu.memory_space<hbm>> -> memref<4096xi32, #tpu.memory_space<hbm>>
        tpu.enqueue_dma source(%dma_start3A_248 : memref<4096xi32, #tpu.memory_space<hbm>>) target(%arg10 : memref<4096xi32, #tpu.memory_space<vmem>>) target_semaphore(%arg24 : memref<!tpu.dma_semaphore, #tpu.memory_space<semaphore_mem>>)
        %dma_start3A_249 = arith.constant 4096 : i32
        %dma_start3A_250 = tpu.memref_slice %arg5[%dma_start3A_249] : memref<8192xi32, #tpu.memory_space<hbm>> -> memref<4096xi32, #tpu.memory_space<hbm>>
        %dma_start3A_251 = arith.constant 4096 : i32
        %dma_start3A_252 = tpu.memref_slice %arg5[%dma_start3A_251] : memref<8192xi32, #tpu.memory_space<hbm>> -> memref<4096xi32, #tpu.memory_space<hbm>>
        tpu.enqueue_dma source(%dma_start3A_252 : memref<4096xi32, #tpu.memory_space<hbm>>) target(%arg14 : memref<4096xi32, #tpu.memory_space<vmem>>) target_semaphore(%arg24 : memref<!tpu.dma_semaphore, #tpu.memory_space<semaphore_mem>>)
        tpu.enqueue_dma source(%arg6 : memref<4096xf32, #tpu.memory_space<hbm>>) target(%arg16 : memref<4096xf32, #tpu.memory_space<vmem>>) target_semaphore(%arg24 : memref<!tpu.dma_semaphore, #tpu.memory_space<semaphore_mem>>)
      } else {
      }
      %mul3A_230 = arith.constant 32 : i32
      %mul3A_231 = arith.muli %add3A_199, %mul3A_230 : i32
      %add3A_232 = arith.addi %mul3A_231, %add3A : i32
      %le3A_233 = arith.constant 1048 : i32
      %le3A_234 = arith.cmpi sle, %add3A_232, %le3A_233 : i32
      %convert_element_type3A_235 = arith.extui %le3A_234 : i1 to i32
      %cond3A_236 = arith.constant 0 : i32
      %cond3A_237 = arith.cmpi ne, %convert_element_type3A_235, %cond3A_236 : i32
      scf.if %cond3A_237 {
        %dma_wait3A = arith.constant 0 : i32
        %dma_wait3A_246 = tpu.memref_slice %arg2[%dma_wait3A] : memref<4294967xi32, #tpu.memory_space<hbm>> -> memref<4096xi32, #tpu.memory_space<hbm>>
        %dma_wait3A_247 = arith.constant 0 : i32
        %dma_wait3A_248 = tpu.memref_slice %arg2[%dma_wait3A_247] : memref<4294967xi32, #tpu.memory_space<hbm>> -> memref<4096xi32, #tpu.memory_space<hbm>>
        tpu.wait_dma2 semaphore(%arg25 : memref<!tpu.dma_semaphore, #tpu.memory_space<semaphore_mem>>) src(%dma_wait3A_248 : memref<4096xi32, #tpu.memory_space<hbm>>) dst(%arg13 : memref<4096xi32, #tpu.memory_space<vmem>>)
        %dma_wait3A_249 = arith.constant 0 : i32
        %dma_wait3A_250 = tpu.memref_slice %arg3[%dma_wait3A_249] : memref<4294967xi32, #tpu.memory_space<hbm>> -> memref<4096xi32, #tpu.memory_space<hbm>>
        %dma_wait3A_251 = arith.constant 0 : i32
        %dma_wait3A_252 = tpu.memref_slice %arg3[%dma_wait3A_251] : memref<4294967xi32, #tpu.memory_space<hbm>> -> memref<4096xi32, #tpu.memory_space<hbm>>
        tpu.wait_dma2 semaphore(%arg25 : memref<!tpu.dma_semaphore, #tpu.memory_space<semaphore_mem>>) src(%dma_wait3A_252 : memref<4096xi32, #tpu.memory_space<hbm>>) dst(%arg15 : memref<4096xi32, #tpu.memory_space<vmem>>)
        %dma_wait3A_253 = arith.constant 0 : i32
        %dma_wait3A_254 = tpu.memref_slice %arg4[%dma_wait3A_253] : memref<4294967xf32, #tpu.memory_space<hbm>> -> memref<4096xf32, #tpu.memory_space<hbm>>
        %dma_wait3A_255 = arith.constant 0 : i32
        %dma_wait3A_256 = tpu.memref_slice %arg4[%dma_wait3A_255] : memref<4294967xf32, #tpu.memory_space<hbm>> -> memref<4096xf32, #tpu.memory_space<hbm>>
        tpu.wait_dma2 semaphore(%arg25 : memref<!tpu.dma_semaphore, #tpu.memory_space<semaphore_mem>>) src(%dma_wait3A_256 : memref<4096xf32, #tpu.memory_space<hbm>>) dst(%arg17 : memref<4096xf32, #tpu.memory_space<vmem>>)
      } else {
      }
      %mul3A_238 = arith.constant 32 : i32
      %mul3A_239 = arith.muli %add3A_199, %mul3A_238 : i32
      %add3A_240 = arith.addi %mul3A_239, %add3A : i32
      %le3A_241 = arith.constant 1048 : i32
      %le3A_242 = arith.cmpi sle, %add3A_240, %le3A_241 : i32
      %convert_element_type3A_243 = arith.extui %le3A_242 : i1 to i32
      %cond3A_244 = arith.constant 0 : i32
      %cond3A_245 = arith.cmpi ne, %convert_element_type3A_243, %cond3A_244 : i32
      scf.if %cond3A_245 {
        %parallel_loop3A_246 = arith.constant 0 : i32
        %parallel_loop3A_247 = arith.constant 256 : i32
        %parallel_loop3A_248 = arith.constant 1 : i32
        scf.for %parallel_loop3A_250 = %parallel_loop3A_246 to %parallel_loop3A_247 step %parallel_loop3A_248  : i32 {
          %parallel_loop3A_251 = arith.constant 16 : i32
          %parallel_loop3A_252 = arith.muli %parallel_loop3A_250, %parallel_loop3A_251 : i32
          %parallel_loop3A_253 = arith.index_cast %parallel_loop3A_252 : i32 to index
          %parallel_loop3A_254 = tpu.vector_load %arg15[%parallel_loop3A_253] {strides = array<i32>} : memref<4096xi32, #tpu.memory_space<vmem>>, vector<16xi32>,
          %parallel_loop3A_255 = tpu.vector_load_idx %arg9[%parallel_loop3A_254] : memref<65536xf32, #tpu.memory_space<vmem>>[vector<16xi32>], vector<16xf32>,
          %parallel_loop3A_256 = arith.index_cast %parallel_loop3A_252 : i32 to index
          %parallel_loop3A_257 = tpu.vector_load %arg17[%parallel_loop3A_256] {strides = array<i32>} : memref<4096xf32, #tpu.memory_space<vmem>>, vector<16xf32>,
          %parallel_loop3A_258 = arith.mulf %parallel_loop3A_255, %parallel_loop3A_257 : vector<16xf32>
          %parallel_loop3A_259 = arith.index_cast %parallel_loop3A_252 : i32 to index
          %parallel_loop3A_260 = tpu.vector_load %arg21[%parallel_loop3A_259] {strides = array<i32>} : memref<4096xf32, #tpu.memory_space<vmem>>, vector<16xf32>,
          tpu.vector_store %arg21[%parallel_loop3A_259], %parallel_loop3A_258 {strides = array<i32>} : memref<4096xf32, #tpu.memory_space<vmem>>, vector<16xf32>,
        } {sc.loop_unroll_factor = 8 : i64, sc.parallel_access}
        %dma_start3A = arith.constant 0 : i32
        %dma_start3A_249 = tpu.memref_slice %arg22[%dma_start3A] : memref<65536xf32, #tpu.memory_space<vmem_shared>> -> memref<65536xf32, #tpu.memory_space<vmem_shared>>
        tpu.enqueue_indirect_dma source(%arg21 : memref<4096xf32, #tpu.memory_space<vmem>>) target(%dma_start3A_249 : memref<65536xf32, #tpu.memory_space<vmem_shared>>) offsets(%arg13 : memref<4096xi32, #tpu.memory_space<vmem>>) semaphore(%arg29 : memref<!tpu.dma_semaphore, #tpu.memory_space<semaphore_mem>>) {add = true}
      } else {
      }
    }
    %scan3A_20 = arith.constant 9 : i32
    %add3A_21 = arith.constant 1056 : i32
    %add3A_22 = arith.addi %add3A_21, %add3A : i32
    %le3A = arith.constant 1048 : i32
    %le3A_23 = arith.cmpi sle, %add3A_22, %le3A : i32
    %and3A = arith.constant true
    %and3A_24 = arith.andi %and3A, %le3A_23 : i1
    %convert_element_type3A_25 = arith.extui %and3A_24 : i1 to i32
    %cond3A_26 = arith.constant 0 : i32
    %cond3A_27 = arith.cmpi ne, %convert_element_type3A_25, %cond3A_26 : i32
    scf.if %cond3A_27 {
      %dma_wait3A = arith.constant 0 : i32
      %dma_wait3A_47 = tpu.memref_slice %arg22[%dma_wait3A] : memref<65536xf32, #tpu.memory_space<vmem_shared>> -> memref<65536xf32, #tpu.memory_space<vmem_shared>>
      tpu.wait_indirect_dma semaphore(%arg27 : memref<!tpu.dma_semaphore, #tpu.memory_space<semaphore_mem>>) src(%arg19 : memref<4096xf32, #tpu.memory_space<vmem>>) dst(%dma_wait3A_47 : memref<65536xf32, #tpu.memory_space<vmem_shared>>)
    } else {
    }
    %add3A_28 = arith.constant 1088 : i32
    %add3A_29 = arith.addi %add3A_28, %add3A : i32
    %le3A_30 = arith.constant 1048 : i32
    %le3A_31 = arith.cmpi sle, %add3A_29, %le3A_30 : i32
    %and3A_32 = arith.constant true
    %and3A_33 = arith.andi %and3A_32, %le3A_31 : i1
    %convert_element_type3A_34 = arith.extui %and3A_33 : i1 to i32
    %cond3A_35 = arith.constant 0 : i32
    %cond3A_36 = arith.cmpi ne, %convert_element_type3A_34, %cond3A_35 : i32
    scf.if %cond3A_36 {
      %dma_wait3A = arith.constant 0 : i32
      %dma_wait3A_47 = tpu.memref_slice %arg22[%dma_wait3A] : memref<65536xf32, #tpu.memory_space<vmem_shared>> -> memref<65536xf32, #tpu.memory_space<vmem_shared>>
      tpu.wait_indirect_dma semaphore(%arg28 : memref<!tpu.dma_semaphore, #tpu.memory_space<semaphore_mem>>) src(%arg20 : memref<4096xf32, #tpu.memory_space<vmem>>) dst(%dma_wait3A_47 : memref<65536xf32, #tpu.memory_space<vmem_shared>>)
    } else {
    }
    %add3A_37 = arith.constant 1120 : i32
    %add3A_38 = arith.addi %add3A_37, %add3A : i32
    %le3A_39 = arith.constant 1048 : i32
    %le3A_40 = arith.cmpi sle, %add3A_38, %le3A_39 : i32
    %and3A_41 = arith.constant true
    %and3A_42 = arith.andi %and3A_41, %le3A_40 : i1
    %convert_element_type3A_43 = arith.extui %and3A_42 : i1 to i32
    %cond3A_44 = arith.constant 0 : i32
    %cond3A_45 = arith.cmpi ne, %convert_element_type3A_43, %cond3A_44 : i32
    scf.if %cond3A_45 {
      %dma_wait3A = arith.constant 0 : i32
      %dma_wait3A_47 = tpu.memref_slice %arg22[%dma_wait3A] : memref<65536xf32, #tpu.memory_space<vmem_shared>> -> memref<65536xf32, #tpu.memory_space<vmem_shared>>
      tpu.wait_indirect_dma semaphore(%arg29 : memref<!tpu.dma_semaphore, #tpu.memory_space<semaphore_mem>>) src(%arg21 : memref<4096xf32, #tpu.memory_space<vmem>>) dst(%dma_wait3A_47 : memref<65536xf32, #tpu.memory_space<vmem_shared>>)
    } else {
    }
    %barrier3A_46 = arith.constant 0 : index
    tpu.barrier barrier_id(%barrier3A_46)
    "tpu.region"() ({
      %run_scoped3A = tpu.sem_alloc : memref<!tpu.dma_semaphore, #tpu.memory_space<semaphore_mem>>
      %dma_start3A = tpu.memref_slice %arg8[%arg0, %mul3A_2] : memref<2x65536xf32, #tpu.memory_space<hbm>> -> memref<1x4096xf32, #tpu.memory_space<hbm>>
      %dma_start3A_47 = tpu.memref_squeeze %dma_start3A : memref<1x4096xf32, #tpu.memory_space<hbm>> -> memref<4096xf32, #tpu.memory_space<hbm>>
      %dma_start3A_48 = tpu.memref_slice %arg22[%mul3A_2] : memref<65536xf32, #tpu.memory_space<vmem_shared>> -> memref<4096xf32, #tpu.memory_space<vmem_shared>>
      tpu.enqueue_dma source(%dma_start3A_48 : memref<4096xf32, #tpu.memory_space<vmem_shared>>) target(%dma_start3A_47 : memref<4096xf32, #tpu.memory_space<hbm>>) target_semaphore(%run_scoped3A : memref<!tpu.dma_semaphore, #tpu.memory_space<semaphore_mem>>)
      %dma_wait3A = tpu.memref_slice %arg8[%arg0, %mul3A_2] : memref<2x65536xf32, #tpu.memory_space<hbm>> -> memref<1x4096xf32, #tpu.memory_space<hbm>>
      %dma_wait3A_49 = tpu.memref_squeeze %dma_wait3A : memref<1x4096xf32, #tpu.memory_space<hbm>> -> memref<4096xf32, #tpu.memory_space<hbm>>
      %dma_wait3A_50 = tpu.memref_slice %arg22[%mul3A_2] : memref<65536xf32, #tpu.memory_space<vmem_shared>> -> memref<4096xf32, #tpu.memory_space<vmem_shared>>
      tpu.wait_dma2 semaphore(%run_scoped3A : memref<!tpu.dma_semaphore, #tpu.memory_space<semaphore_mem>>) src(%dma_wait3A_50 : memref<4096xf32, #tpu.memory_space<vmem_shared>>) dst(%dma_wait3A_49 : memref<4096xf32, #tpu.memory_space<hbm>>)
      tpu.yield
    }) : () -> ()
    return
  }
}

module attributes {stable_mosaic.version = 14 : i64} {
  func.func @body(%arg0: memref<2x65536xf32, #tpu.memory_space<vmem>>, %arg1: memref<65536xf32, #tpu.memory_space<vmem>>) attributes {dimension_semantics = [], scalar_prefetch = 0 : i64, scratch_operands = 0 : i64, tpu.core_type = #tpu.core_type<tc>} {
    %get3A = arith.constant 0 : index
    %get3A_0 = arith.constant 0 : index
    %get3A_1 = vector.load %arg0[%get3A, %get3A_0] : memref<2x65536xf32, #tpu.memory_space<vmem>>, vector<1x65536xf32>
    %get3A_2 = vector.shape_cast %get3A_1 : vector<1x65536xf32> to vector<65536xf32>
    %get3A_3 = arith.constant 1 : index
    %get3A_4 = arith.constant 0 : index
    %get3A_5 = vector.load %arg0[%get3A_3, %get3A_4] : memref<2x65536xf32, #tpu.memory_space<vmem>>, vector<1x65536xf32>
    %get3A_6 = vector.shape_cast %get3A_5 : vector<1x65536xf32> to vector<65536xf32>
    %add3A = arith.addf %get3A_2, %get3A_6 : vector<65536xf32>
    %swap3A = arith.constant 0 : index
    %swap3A_7 = vector.load %arg1[%swap3A] : memref<65536xf32, #tpu.memory_space<vmem>>, vector<65536xf32>
    tpu.vector_store %arg1[%swap3A], %add3A {strides = array<i32>} : memref<65536xf32, #tpu.memory_space<vmem>>, vector<65536xf32>,
    return
  }
}

</mosaic_0001>

<sc_bundles>
// kernel: kernel.4.cloned.1.call-start
scs
__scs_entry_jumppad:
0x0: {  	(pc) =	sbr.rel $0x88, $3  }
0x1: {  	(tag) =	ssettag $0x0;
	lr =	simm.s32 $0x1  }
0x2: {  	[smem:$0x3F9D] =	sst lr;
	_ =	strace $0xD0000000  }
0x3: {  	_ = 	snop  }
0x4: {  	_ = 	snop  }
0x5: {  	_ = 	snop  }
0x6: {  	_ = 	snop  }
0x7: {  	_ = 	snop  }
__scs_overlays_trampoline_lowered:
0x8: {  	[smem:$0x3FAC] =	sst s0  }
0x9: {  	[smem:$0x3FAD] =	sst s1  }
0xa: {  	[smem:$0x3FAE] =	sst s2  }
0xb: {  	[smem:$0x3FAF] =	sst s3  }
0xc: {  	[smem:$0x3FB0] =	sst s4  }
0xd: {  	[smem:$0x3FB1] =	sst s5  }
0xe: {  	[smem:$0x3FB2] =	sst s6  }
0xf: {  	[smem:$0x3FB3] =	sst s7  }
0x10: {  	[smem:$0x3FB4] =	sst s8  }
0x11: {  	[smem:$0x3FB5] =	sst s9;
	s0 =	simm.s32 @!p0 $0x0  }
0x12: {  	s1 =	sld [smem:$0x3F9B];
	s0 =	simm.s32 @p0 $0x1  }
0x13: {  	[smem:$0x3FB6] =	sst s0;
	s0 =	simm.s32 @!p1 $0x0  }
0x14: {  	s2 =	sld [smem:$0x3F9A];
	s0 =	simm.s32 @p1 $0x1  }
0x15: {  	[smem:$0x3FB7] =	sst s0;
	s0 =	simm.s32 @!p2 $0x0  }
0x16: {  	s3 =	sld [smem:$0x3FDB];
	s0 =	simm.s32 @p2 $0x1  }
0x17: {  	s4 =	simm.s32 $0x1BF5;
	[smem:$0x3FB9] =	sst s0  }
0x18: {  	s0 =	sld [smem:$0x3F9C];
	_ =	swait.ge [sflag:s4], $0x0  }
0x19: {  	s7 =	sld [smem:$0x3F9D]  }
0x1a: {  	s8 =	sadd.s32 $0xFFFFE003, lr  }
0x1b: {  	s9 =	sadd.s32 $0xFFFFFEF7, lr;
	s5 =	simm.s32 $0xFFFFFFFF;
	p2 =	slt.u32 s8, $0xFFFFF086  }
0x1c: {  	p1 =	slt.u32 s9, $0xF7A;
	s5 =	simm.s32 @!p2 $0x0  }
0x1d: {  	s5 =	simm.s32 @p1 $0x1;
	p0 =	seq.s32 s7, s2  }
0x1e: {  	s7 =	smul.u32 @!p0 $0xF7A, s2;
	p2 =	seq.s32 @!p0 s5, $0x0  }
0x1f: {  	s9 =	smul.u32 $0xF7A, s1;
	s8 =	simm.s32 @!p0 $0x1BF5;
	p2 =	por !p2, p0  }
0x20: {  	[sflag:s8] =	ssyncset.s32 @!p0 $0xFFFFF086;
	s6 =	sadd.s32 @!p0 s3, s7;
	s7 =	simm.s32 @!p0 $0x108  }
0x21: {  	s3 =	sadd.s32 s3, s9;
	s6 =	sadd.s32 @!p0 $0x88, s6;
	s7 =	simm.s32 @p2 $0x1082  }
0x22: {  	[simem:s7], [sflag:s8] =	dma.local @!p0 [hbm:s6], $0xF7A  }
0x23: {  	s9 =	sor.u32 $0xD0000000, s2;
	s6 =	simm.s32 $0x108;
	_ =	swait.ge @!p0 [sflag:s8], $0x0  }
0x24: {  	s3 =	sadd.s32 $0x88, s3;
	s6 =	simm.s32 @!p1 $0x1082;
	[sflag:s4] =	ssyncset.s32 $0xFFFFF086  }
0x25: {  	[simem:s6], [sflag:s4] =	dma.local [hbm:s3], $0xF7A  }
0x26: {  	[smem:$0x3F9D] =	sst s1;
	(tag) =	ssettag s2;
	_ =	strace s9  }
0x27: {  	s1 =	sld [smem:$0x3FAD]  }
0x28: {  	s2 =	sld [smem:$0x3FAE]  }
0x29: {  	s4 =	sld [smem:$0x3FB0]  }
0x2a: {  	p0 =	seq.s32 s5, $0x0;
	s5 =	sld [smem:$0x3FB1]  }
0x2b: {  	s6 =	sld [smem:$0x3FB2]  }
0x2c: {  	s7 =	sld [smem:$0x3FB3]  }
0x2d: {  	s3 =	simm.s32 $0x108;
	s8 =	sld [smem:$0x3FB4]  }
0x2e: {  	s3 =	simm.s32 @!p0 $0x1082;
	s9 =	sld [smem:$0x3FB5]  }
0x2f: {  	lr =	sadd.s32 s0, s3;
	s0 =	sld [smem:$0x3FAC]  }
0x30: {  	s3 =	sld [smem:$0x3FAF]  }
0x31: {  	[smem:$0x3FB8] =	sst s10  }
0x32: {  	s10 =	sld [smem:$0x3FB6];
	_ =	sdelay $0x3  }
0x33: {  	p0 =	seq.s32 s10, $0x1;
	s10 =	sld [smem:$0x3FB8];
	_ =	sdelay $0x3  }
0x34: {  	[smem:$0x3FB8] =	sst s10  }
0x35: {  	s10 =	sld [smem:$0x3FB7];
	_ =	sdelay $0x3  }
0x36: {  	p1 =	seq.s32 s10, $0x1;
	s10 =	sld [smem:$0x3FB8];
	_ =	sdelay $0x3  }
0x37: {  	[smem:$0x3FB8] =	sst s10  }
0x38: {  	s10 =	sld [smem:$0x3FB9]  }
0x39: {  	_ = 	snop;
	(pc) =	sbr.ind lr, $3  }
0x3a: {  	_ = 	snop  }
0x3b: {  	_ = 	snop  }
0x3c: {  	p2 =	seq.s32 s10, $0x1;
	s10 =	sld [smem:$0x3FB8]  }
0x3d: {  	_ =	shalt  }
0x3e: {  	_ =	shalt  }
0x3f: {  	_ =	shalt  }
0x40: {  	_ =	shalt  }
0x41: {  	_ =	shalt  }
0x42: {  	_ =	shalt  }
0x43: {  	_ =	shalt  }
0x44: {  	_ =	shalt  }
0x45: {  	_ =	shalt  }
0x46: {  	_ =	shalt  }
0x47: {  	_ =	shalt  }
0x48: {  	_ =	shalt  }
0x49: {  	_ =	shalt  }
0x4a: {  	_ =	shalt  }
0x4b: {  	_ =	shalt  }
0x4c: {  	_ =	shalt  }
0x4d: {  	_ =	shalt  }
0x4e: {  	_ =	shalt  }
0x4f: {  	_ =	shalt  }
0x50: {  	_ =	shalt  }
0x51: {  	_ =	shalt  }
0x52: {  	_ =	shalt  }
0x53: {  	_ =	shalt  }
0x54: {  	_ =	shalt  }
0x55: {  	_ =	shalt  }
0x56: {  	_ =	shalt  }
0x57: {  	_ =	shalt  }
0x58: {  	_ =	shalt  }
0x59: {  	_ =	shalt  }
0x5a: {  	_ =	shalt  }
0x5b: {  	_ =	shalt  }
0x5c: {  	_ =	shalt  }
0x5d: {  	_ =	shalt  }
0x5e: {  	_ =	shalt  }
0x5f: {  	_ =	shalt  }
0x60: {  	_ =	shalt  }
0x61: {  	_ =	shalt  }
0x62: {  	_ =	shalt  }
0x63: {  	_ =	shalt  }
0x64: {  	_ =	shalt  }
0x65: {  	_ =	shalt  }
0x66: {  	_ =	shalt  }
0x67: {  	_ =	shalt  }
0x68: {  	_ =	shalt  }
0x69: {  	_ =	shalt  }
0x6a: {  	_ =	shalt  }
0x6b: {  	_ =	shalt  }
0x6c: {  	_ =	shalt  }
0x6d: {  	_ =	shalt  }
0x6e: {  	_ =	shalt  }
0x6f: {  	_ =	shalt  }
0x70: {  	_ =	shalt  }
0x71: {  	_ =	shalt  }
0x72: {  	_ =	shalt  }
0x73: {  	_ =	shalt  }
0x74: {  	_ =	shalt  }
0x75: {  	_ =	shalt  }
0x76: {  	_ =	shalt  }
0x77: {  	_ =	shalt  }
0x78: {  	_ =	shalt  }
0x79: {  	_ =	shalt  }
0x7a: {  	_ =	shalt  }
0x7b: {  	_ =	shalt  }
0x7c: {  	_ =	shalt  }
0x7d: {  	_ =	shalt  }
0x7e: {  	_ =	shalt  }
0x7f: {  	_ =	shalt  }
0x80: {  	_ =	shalt  }
0x81: {  	_ =	shalt  }
0x82: {  	_ =	shalt  }
0x83: {  	_ =	shalt  }
0x84: {  	_ =	shalt  }
0x85: {  	_ =	shalt  }
0x86: {  	_ =	shalt  }
0x87: {  	_ =	shalt  }
.Lfunc_end0:
.L_simem_size_0:
called_computation_lowered:
.L_overlay_start_0:
0x88: {  	s2 =	sld [smem:$0x3FD9]  }
0x89: {  	s3 =	sld [smem:$0x3FFE];
	_ =	sdelay $0x1  }
0x8a: {  	s1 =	srdreg.scid  }
0x8b: {  	s0 =	sand.u32 $0x1, s1  }
0x8c: {  	s17 =	sshll.u32 s0, $0xA;
	s2 =	sadd.s32 s3, s2  }
0x8d: {  	s2 =	sadd.s32 s2, s17  }
0x8e: {  	[smem:$0x3FC4] =	sst s2  }
0x8f: {  	_ = 	snop  }
0x90: {  	s2 =	sld [smem:$0x3FC9]  }
0x91: {  	s18 =	sld [smem:$0x3FC8]  }
0x92: {  	s4 =	sld [smem:$0x3FC7]  }
0x93: {  	s5 =	sld [smem:$0x3FC6]  }
0x94: {  	s6 =	sld [smem:$0x3FD0];
	(tm) =	ssettm $0x1  }
0x95: {  	s7 =	sld [smem:$0x3FFB];
	_ =	sdelay $0x3  }
0x96: {  	_ =	strace s7  }
0x97: {  	s7 =	sld [smem:$0x3FFC];
	_ =	sdelay $0x3  }
0x98: {  	_ =	strace s7  }
0x99: {  	s7 =	sld [smem:$0x3FFD];
	_ =	sdelay $0x3  }
0x9a: {  	_ =	strace s7  }
0x9b: {  	_ =	strace $0x8FFFFFFF  }
0x9c: {  	s19 =	sld [smem:$0x3FDB];
	_ =	sdelay $0x1  }
0x9d: {  	s8 =	simm.s32 $_scs_section_size  }
0x9e: {  	s9 =	simm.s32 $_size__tile_overlayer_lowered;
	s10 =	simm.s32 $_tile_overlayer_lowered  }
0x9f: {  	s22 =	simm.s32 $0x1BFF;
	s21 =	sshll.u32 s10, $0x1;
	s7 =	sadd.s32 s8, s19  }
0xa0: {  	s11 =	simm.s32 $0x0;
	s20 =	sshll.u32 s9, $0x1;
	s9 =	sadd.s32 s21, s7  }
0xa1: {  	[timem:s11], [sflag:s22] =	dma.local [hbm:s9], s20  }
0xa2: {  	_ =	swait.ge [sflag:s22], s20  }
0xa3: {  	s8 =	ssub.s32 $0x0, s20;
	[sflag:s22] =	ssyncset.done $0x0  }
0xa4: {  	[sflag:s22] =	ssyncadd.s32 s8;
	_ =	sdelay $0x1  }
0xa5: {  	s23 =	simm.s32 $0x1B8B  }
0xa6: {  	_ =	swait.ge [sflag:s23], $0x1  }
0xa7: {  	[sflag:s23] =	ssyncset.done $0x0  }
0xa8: {  	s25 =	simm.s32 $0x1B8E;
	s24 =	sld [smem:$0x3FFE];
	[sflag:s23] =	ssyncadd.s32 $0xFFFFFFFF  }
0xa9: {  	s26 =	simm.s32 $execute0_lowered;
	[smem:$0x3FD2] =	sst s25  }
0xaa: {  	s9 =	sshll.u32 s26, $0x1;
	_ =	strace $0x80000046;
	[dreg:$0x1] =	wrdreg $0xFFFFFFFF  }
0xab: {  	s28 =	simm.s32 $_size_execute0_lowered;
	s7 =	sadd.s32 s7, s9;
	[dreg:$0x0] =	wrdreg $0x0  }
0xac: {  	s9 =	sshll.u32 s28, $0x1;
	[dreg:$0x2] =	wrdreg s7  }
0xad: {  	[dreg:$0x3] =	wrdreg s9  }
0xae: {  	[dreg:$0x4] =	wrdreg $0xC0  }
0xaf: {  	_ =	task [dreg:s11], $0x5FFFF  }
0xb0: {  	[dreg:$0x1] =	wrdreg $0xFFFFFFFF  }
0xb1: {  	[dreg:$0x0] =	wrdreg $0x60  }
0xb2: {  	[dreg:$0x2] =	wrdreg s2  }
0xb3: {  	[dreg:$0x3] =	wrdreg s18  }
0xb4: {  	[dreg:$0x4] =	wrdreg s4  }
0xb5: {  	[dreg:$0x5] =	wrdreg s6  }
0xb6: {  	[dreg:$0x6] =	wrdreg s24  }
0xb7: {  	[dreg:$0x7] =	wrdreg s5  }
0xb8: {  	[dreg:$0x8] =	wrdreg $0x1D0000  }
0xb9: {  	[dreg:$0x9] =	wrdreg $0x1C0000  }
0xba: {  	[dreg:$0xa] =	wrdreg $0x9  }
0xbb: {  	_ =	task.clear_ibuf [dreg:s11], $0xBFFFF;
	_ =	strace $0x90000046  }
0xbc: {  	s29 =	simm.s32 $0x9;
	_ =	strace $0x80000048  }
0xbd: {  	_ =	swait.ge [sflag:s29], $0x1  }
0xbe: {  	[sflag:s29] =	ssyncadd.s32 $0xFFFFFFFF  }
0xbf: {  	_ =	strace $0x90000048  }
0xc0: {  	_ =	sfence  }
0xc1: {  	s30 =	sld [smem:$0x0];
	_ =	sdelay $0x2  }
0xc2: {  	s31 =	sshll.u32 s1, $0xD;
	s1 =	sshrl.u32 s1, $0x2  }
0xc3: {  	s3 =	sand.u32 $0x4000, s31;
	s1 =	sadd.s32 s1, s30  }
0xc4: {  	s0 =	sor.u32 s3, s0;
	s1 =	sshll.u32 s1, $0x11  }
0xc5: {  	s0 =	sor.u32 s1, s0  }
0xc6: {  	s0 =	sadd.s32 $0x8F2B, s0  }
0xc7: {  	[sflag:s0] =	ssyncadd.remote.s32 $0x1  }
0xc8: {  	_ =	sfence.sel $0xFFFF  }
0xc9: {  	[dreg:$0x0] =	wrdreg $0xFFFFFFFF;
	(pc) =	sbr.abs _section_cstart, $3  }
0xca: {  	[dreg:$0x1] =	wrdreg $0xFFFFFFFF  }
0xcb: {  	_ =	task.clear_ibuf [dreg:s11], $0x2FFFF;
	_ =	strace $0x9FFFFFFF  }
0xcc: {  	(tm) =	ssettm $0x7FFFFFFF  }
0xcd: {  	_ =	shalt  }
tec
execute0_lowered:
.L_overlay_start_1:
0x0: {  	(tag) =	ssettag $0x1  }
0x1: {  	s0 =	rddreg [dreg:$0x0]  }
0x2: {  	s1 =	rddreg [dreg:$0x1]  }
0x3: {  	s3 =	rddreg [dreg:$0x2]  }
0x4: {  	s13 =	rddreg [dreg:$0x3]  }
0x5: {  	s2 =	rddreg [dreg:$0x4]  }
0x6: {  	s4 =	rddreg [dreg:$0x5]  }
0x7: {  	s12 =	rddreg [dreg:$0x6]  }
0x8: {  	s6 =	rddreg [dreg:$0x7];
	s7 =	simm.s32 $0x0;
	s5 =	srdreg.scid  }
0x9: {  	s14 =	stileid.u32;
	s28 =	simm.s32 $0x1;
	s29 =	simm.s32 $0x1000  }
0xa: {  	s30 =	simm.s32 $0x2;
	s31 =	simm.s32 $0x11000;
	[smem:$0x7FF] =	sst s7  }
0xb: {  	s5 =	sand.u32 $0x1, s5;
	s9 =	sadd.s32 $0x800, s2;
	s19 =	sshll.u32 s14, $0x9  }
0xc: {  	s11 =	sshll.u32 s14, $0xC;
	s20 =	sshll.u32 s14, $0x6;
	s24 =	sshll.u32 s14, $0xA  }
0xd: {  	s18 =	sadd.s32 $0x200, s13;
	s13 =	simm.s32 $0x7;
	_ =	strace $0x80000047  }
0xe: {  	s8 =	ssub.s32 $0x2, s5;
	s5 =	sshll.u32 s5, $0x4;
	s12 =	sadd.s32 s11, s12  }
0xf: {  	s4 =	sadd.s32 s4, s19;
	s15 =	sor.u32 $0x1C07, s20;
	s16 =	sadd.s32 s11, s6  }
0x10: {  	s11 =	simm.s32 $0x13000;
	s10 =	sshrl.u32 s8, $0x1;
	[dreg:$0x9] =	wrdreg s4  }
0x11: {  	s2 =	sadd.s32 s5, s2;
	s26 =	sshrl.u32 s12, $0x3;
	[dreg:$0xa] =	wrdreg s15  }
0x12: {  	s12 =	simm.s32 $0x0;
	[dreg:$0xb] =	wrdreg s16;
	s8 =	ssub.s32 s8, s10  }
0x13: {  	s10 =	sor.u32 s14, s5;
	s2 =	sadd.s32 s24, s2;
	[dreg:$0x11] =	wrdreg s26  }
0x14: {  	s24 =	simm.s32 $0x10000;
	s26 =	simm.s32 $0x16000;
	s5 =	simm.s32 $0x1A000  }
0x15: {  	s14 =	simm.s32 $0x1B000;
	s21 =	sshll.u32 s10, $0x9;
	s2 =	sadd.s32 $0xA00, s2  }
.Ltmp0:
0x16: {  	s25 =	smax.u32 s8, $0x1;
	[dreg:$0xf] =	wrdreg s2;
	(pc) =	sbr.rel .LBB2_1-.Ltmp0, $4  }
0x17: {  	s17 =	sor.u32 $0x80, s10;
	s22 =	sadd.s32 s0, s21;
	[dreg:$0x10] =	wrdreg s25  }
0x18: {  	s8 =	simm.s32 $0x12000;
	s23 =	sadd.s32 s1, s21;
	[dreg:$0xc] =	wrdreg s22  }
0x19: {  	s4 =	sadd.s32 s3, s21;
	s25 =	simm.s32 $0x14000;
	[dreg:$0xd] =	wrdreg s23  }
0x1a: {  	v0 =	vimm.f32 $0.0e+00;
	s2 =	simm.s32 $0x19000;
	[dreg:$0xe] =	wrdreg s4;
	s23 =	simm.s32 $0x18000  }
.LBB2_26:
0x1b: {  	[bflag:$0x0] =	sbarrier.arrive $0xFFFF  }
0x1c: {  	s16 =	rddreg [dreg:$0xb]  }
0x1d: {  	s13 =	simm.s32 $0x20;
	s15 =	rddreg [dreg:$0xa]  }
0x1e: {  	s19 =	simm.s32 $0x10;
	s12 =	rddreg [dreg:$0xf];
	s4 =	sshrl.u32 s16, $0x3  }
0x1f: {  	[hbm:s12@s13], [sflag:s15] =	dma.strided [spmem:s4@s19], $0x200, s28, $0x10   }
0x20: {  	s13 =	simm.s32 $0x7  }
0x21: {  	_ =	swait.ge [sflag:s13], $0x200  }
0x22: {  	s21 =	rddreg [dreg:$0x12]  }
0x23: {  	s22 =	rddreg [dreg:$0x10];
	s12 =	sadd.s32 $0x1, s21  }
0x24: {  	p0 =	sne.s32 s12, s22  }
.Ltmp1:
0x25: {  	_ = 	snop;
	(pc) =	sbr.rel @!p0 .LBB2_27-.Ltmp1, $3  }
0x26: {  	_ =	sdelay $0x1  }
0x27: {  	[sflag:s13] =	ssyncset.done $0x0  }
0x28: {  	[sflag:s13] =	ssyncadd.s32 $0xFFFFFE00  }
.LBB2_1:
0x29: {  	[dreg:$0x12] =	wrdreg s12  }
0x2a: {  	s4 =	rddreg [dreg:$0x9]  }
0x2b: {  	s22 =	rddreg [dreg:$0x11]  }
0x2c: {  	[spmem:s22], [sflag:s15] =	dma.local [hbm:s4], $0x200  }
0x2d: {  	_ =	swait.ge [sflag:s13], $0x200  }
0x2e: {  	[sflag:s13] =	ssyncset.done $0x0  }
0x2f: {  	s4 =	simm.s32 $0x18040;
	[sflag:s13] =	ssyncadd.s32 $0xFFFFFE00  }
0x30: {  	[tilespmem:s4+$0xFFFFFFC0] =	vst v0  }
0x31: {  	[tilespmem:s4+$0x30] =	vst v0  }
0x32: {  	[tilespmem:s4+$0x20] =	vst v0  }
0x33: {  	[tilespmem:s4+$0x10] =	vst v0  }
0x34: {  	[tilespmem:s4+$0x0] =	vst v0  }
0x35: {  	[tilespmem:s4+$0xFFFFFFF0] =	vst v0  }
0x36: {  	s12 =	simm.s32 $0x0;
	s13 =	simm.s32 $0x7;
	[tilespmem:s4+$0xFFFFFFE0] =	vst v0  }
.LBB2_2:
0x37: {  	s12 =	sadd.s32 $0x8, s12;
	[tilespmem:s4+$0xFFFFFFD0] =	vst v0;
	s4 =	sadd.s32 $0x80, s4  }
0x38: {  	[tilespmem:s4+$0xFFFFFFC0] =	vst v0;
	p0 =	slt.u32 s12, $0xF8  }
0x39: {  	[tilespmem:s4+$0x30] =	vst v0  }
.Ltmp2:
0x3a: {  	[tilespmem:s4+$0x20] =	vst v0;
	(pc) =	sbr.rel @p0 .LBB2_2-.Ltmp2, $4  }
0x3b: {  	[tilespmem:s4+$0x10] =	vst v0  }
0x3c: {  	[tilespmem:s4+$0x0] =	vst v0  }
0x3d: {  	[tilespmem:s4+$0xFFFFFFF0] =	vst v0  }
0x3e: {  	[tilespmem:s4+$0xFFFFFFE0] =	vst v0  }
0x3f: {  	[tilespmem:s4+$0xFFFFFFD0] =	vst v0  }
0x40: {  	[spmem:s16] =	stream.linear.scatter [tilespmem:s23], [sflag:$0x7], $0x1000, $0x38;
	[tilespmem:$0x1E000] =	vst v63  }
0x41: {  	_ =	swait.ge [sflag:s13], $0x1000  }
0x42: {  	[sflag:s13] =	ssyncset.done $0x0  }
0x43: {  	[sflag:s13] =	ssyncadd.s32 $0xFFFFF000  }
0x44: {  	[bflag:$0x0] =	sbarrier.arrive $0xFFFF  }
0x45: {  	s16 =	simm.s32 $0x0;
	s19 =	rddreg [dreg:$0x6]  }
0x46: {  	[tilespmem:s16], [sflag:$0x7] =	stream.linear.gather [spmem:s19], $0x10000, $0x38;
	[tilespmem:$0x1E000] =	vst v63  }
0x47: {  	_ =	swait.ge [sflag:s13], $0x10000  }
0x48: {  	[sflag:s13] =	ssyncset.done $0x0  }
0x49: {  	s20 =	rddreg [dreg:$0xc];
	[sflag:s13] =	ssyncadd.s32 $0xFFFF0000  }
0x4a: {  	[tilespmem:s24], [sflag:$0x1] =	stream.linear.gather [hbm4b:s20+s16], $0x1000, $0x38;
	[tilespmem:$0x1E000] =	vst v63  }
.Ltmp3:
0x4b: {  	_ = 	snop;
	(pc) =	sbr.rel .LBB2_4-.Ltmp3, $4  }
0x4c: {  	s21 =	rddreg [dreg:$0xd]  }
0x4d: {  	[tilespmem:s25], [sflag:$0x1] =	stream.linear.gather [hbm4b:s21+s16], $0x1000, $0x38;
	[tilespmem:$0x1E000] =	vst v63  }
0x4e: {  	s22 =	rddreg [dreg:$0xe]  }
0x4f: {  	[tilespmem:s26], [sflag:$0x1] =	stream.linear.gather [hbm4b:s22+s16], $0x1000, $0x38;
	[tilespmem:$0x1E000] =	vst v63  }
.LBB2_25:
0x50: {  	s16 =	sadd.s32 $0x1, s16  }
0x51: {  	p0 =	sne.s32 s16, $0x9  }
.Ltmp4:
0x52: {  	_ = 	snop;
	(pc) =	sbr.rel @!p0 .LBB2_26-.Ltmp4, $1  }
0x53: {  	_ =	sdelay $0x3  }
.LBB2_4:
0x54: {  	s19 =	sshll.u32 s16, $0x7;
	p1 =	seq.s32 s16, $0x0  }
0x55: {  	s4 =	simm.s32 @!p1 $0x4;
	s20 =	sor.u32 s10, s19  }
0x56: {  	_ =	swait.ge @!p1 [sflag:s4], $0x1000;
	s21 =	sor.u32 $0x20, s20  }
0x57: {  	[sflag:s4] =	ssyncset.done @!p1 $0x0;
	p0 =	sgt.u32 s21, $0x417  }
0x58: {  	[sflag:s4] =	ssyncadd.s32 @!p1 $0xFFFFF000;
	s4 =	sshll.u32 @!p0 s21, $0x9  }
0x59: {  	s13 =	simm.s32 @!p0 $0x0;
	s22 =	simm.s32 @!p0 $0x11000;
	s12 =	sadd.s32 @!p0 s0, s4  }
0x5a: {  	[tilespmem:s22], [sflag:$0x2] =	stream.linear.gather @!p0 [hbm4b:s12+s13], $0x1000, $0x38;
	[tilespmem:$0x1E000] =	vst v63  }
0x5b: {  	s12 =	sadd.s32 @!p0 s1, s4;
	s22 =	simm.s32 @!p0 $0x15000  }
0x5c: {  	[tilespmem:s22], [sflag:$0x2] =	stream.linear.gather @!p0 [hbm4b:s12+s13], $0x1000, $0x38;
	[tilespmem:$0x1E000] =	vst v63  }
0x5d: {  	s4 =	sadd.s32 @!p0 s3, s4;
	s12 =	simm.s32 @!p0 $0x17000  }
0x5e: {  	[tilespmem:s12], [sflag:$0x2] =	stream.linear.gather @!p0 [hbm4b:s4+s13], $0x1000, $0x38;
	[tilespmem:$0x1E000] =	vst v63  }
0x5f: {  	p0 =	sgt.u32 s20, $0x418  }
.Ltmp5:
0x60: {  	_ = 	snop;
	(pc) =	sbr.rel @p0 .LBB2_8-.Ltmp5, $1  }
0x61: {  	_ =	sdelay $0x3  }
0x62: {  	_ =	swait.ge [sflag:s28], $0x1000  }
0x63: {  	[sflag:s28] =	ssyncset.done $0x0  }
0x64: {  	[sflag:s28] =	ssyncadd.s32 $0xFFFFF000  }
0x65: {  	_ =	swait.ge [sflag:s28], $0x1000  }
0x66: {  	[sflag:s28] =	ssyncset.done $0x0  }
0x67: {  	[sflag:s28] =	ssyncadd.s32 $0xFFFFF000  }
0x68: {  	_ =	swait.ge [sflag:s28], $0x1000  }
0x69: {  	[sflag:s28] =	ssyncset.done $0x0  }
0x6a: {  	s4 =	simm.s32 $0x14040;
	[sflag:s28] =	ssyncadd.s32 $0xFFFFF000  }
0x6b: {  	v1 =	vld [tilespmem:s4+$0x30]  }
0x6c: {  	v2 =	vld [tilespmem:s4+$0xFFFFFFD0]  }
0x6d: {  	v3 =	vld [tilespmem:s4+$0xFFFFFFE0]  }
0x6e: {  	v4 =	vld [tilespmem:s4+$0xFFFFFFF0]  }
0x6f: {  	v6 =	vld [tilespmem:s4+$0x0]  }
0x70: {  	v7 =	vld [tilespmem:s4+$0x10]  }
0x71: {  	v8 =	vld [tilespmem:s4+$0x20]  }
0x72: {  	s12 =	simm.s32 $0x16040;
	v9 =	vld [tilespmem:s4+$0xFFFFFFC0]  }
0x73: {  	v12 =	vld [tilespmem:s12+$0x30]  }
0x74: {  	v15 =	vld [tilespmem:s12+$0xFFFFFFD0]  }
0x75: {  	v10 =	vld [tilespmem:s12+$0xFFFFFFE0]  }
0x76: {  	v11 =	vld.idx.msk [tilespmem:v1+s7+$0x0], $0xffff  }
0x77: {  	v13 =	vld.idx.msk [tilespmem:v2+s7+$0x0], $0xffff  }
0x78: {  	v5 =	vld.idx.msk [tilespmem:v3+s7+$0x0], $0xffff  }
0x79: {  	v4 =	vld.idx.msk [tilespmem:v4+s7+$0x0], $0xffff  }
0x7a: {  	v14 =	vld.idx.msk [tilespmem:v9+s7+$0x0], $0xffff  }
0x7b: {  	v2 =	vld.idx.msk [tilespmem:v8+s7+$0x0], $0xffff  }
0x7c: {  	v8 =	vld [tilespmem:s12+$0xFFFFFFC0]  }
0x7d: {  	v3 =	vld.idx.msk [tilespmem:v6+s7+$0x0], $0xffff  }
0x7e: {  	v1 =	vld.idx.msk [tilespmem:v7+s7+$0x0], $0xffff  }
0x7f: {  	v9 =	vld [tilespmem:s12+$0xFFFFFFF0]  }
0x80: {  	v7 =	vld [tilespmem:s12+$0x0];
	v11 =	vmul.f32 v12, v11  }
0x81: {  	s13 =	simm.s32 $0x18040;
	v6 =	vld [tilespmem:s12+$0x10];
	v12 =	vmul.f32 v8, v14  }
0x82: {  	s22 =	simm.s32 $0x140C0;
	s4 =	simm.s32 $0x0;
	v8 =	vld [tilespmem:s12+$0x20];
	[tilespmem:s13+$0x30] =	vst v11;
	v11 =	vmul.f32 v15, v13  }
.LBB2_6:
0x83: {  	v13 =	vld [tilespmem:s22+$0x30];
	s4 =	sadd.s32 $0x8, s4;
	[tilespmem:s13+$0xFFFFFFC0] =	vst v12;
	v5 =	vmul.f32 v10, v5  }
0x84: {  	v10 =	vld [tilespmem:s22+$0xFFFFFFD0];
	p2 =	slt.u32 s4, $0xF8;
	[tilespmem:s13+$0xFFFFFFD0] =	vst v11;
	v4 =	vmul.f32 v9, v4  }
0x85: {  	v9 =	vld [tilespmem:s22+$0xFFFFFFE0];
	[tilespmem:s13+$0xFFFFFFE0] =	vst v5;
	v3 =	vmul.f32 v7, v3  }
0x86: {  	v7 =	vld [tilespmem:s22+$0xFFFFFFF0];
	[tilespmem:s13+$0xFFFFFFF0] =	vst v4;
	v1 =	vmul.f32 v6, v1  }
0x87: {  	v6 =	vld [tilespmem:s22+$0x0];
	[tilespmem:s13+$0x0] =	vst v3;
	v2 =	vmul.f32 v8, v2  }
0x88: {  	v8 =	vld [tilespmem:s22+$0x10];
	[tilespmem:s13+$0x10] =	vst v1  }
0x89: {  	v11 =	vld [tilespmem:s22+$0x20];
	[tilespmem:s13+$0x20] =	vst v2  }
0x8a: {  	v2 =	vld [tilespmem:s22+$0xFFFFFFC0]  }
0x8b: {  	s12 =	sadd.s32 $0x80, s12;
	v12 =	vld.idx.msk [tilespmem:v13+s7+$0x0], $0xffff  }
0x8c: {  	v13 =	vld [tilespmem:s12+$0x30]  }
0x8d: {  	v14 =	vld.idx.msk [tilespmem:v10+s7+$0x0], $0xffff  }
0x8e: {  	v5 =	vld.idx.msk [tilespmem:v9+s7+$0x0], $0xffff  }
0x8f: {  	v4 =	vld.idx.msk [tilespmem:v7+s7+$0x0], $0xffff  }
0x90: {  	v3 =	vld.idx.msk [tilespmem:v6+s7+$0x0], $0xffff  }
0x91: {  	v1 =	vld.idx.msk [tilespmem:v8+s7+$0x0], $0xffff;
	v6 =	vmul.f32 v13, v12  }
0x92: {  	s13 =	sadd.s32 $0x80, s13;
	v8 =	vld.idx.msk [tilespmem:v2+s7+$0x0], $0xffff  }
0x93: {  	v2 =	vld.idx.msk [tilespmem:v11+s7+$0x0], $0xffff;
	[tilespmem:s13+$0x30] =	vst v6  }
0x94: {  	v6 =	vld [tilespmem:s12+$0xFFFFFFC0]  }
0x95: {  	v11 =	vld [tilespmem:s12+$0xFFFFFFD0]  }
.Ltmp6:
0x96: {  	v10 =	vld [tilespmem:s12+$0xFFFFFFE0];
	(pc) =	sbr.rel @p2 .LBB2_6-.Ltmp6, $4  }
0x97: {  	v9 =	vld [tilespmem:s12+$0xFFFFFFF0]  }
0x98: {  	v7 =	vld [tilespmem:s12+$0x0]  }
0x99: {  	v12 =	vmul.f32 v6, v8;
	v6 =	vld [tilespmem:s12+$0x10]  }
0x9a: {  	s22 =	sadd.s32 $0x80, s22;
	v11 =	vmul.f32 v11, v14;
	v8 =	vld [tilespmem:s12+$0x20]  }
0x9b: {  	[tilespmem:s13+$0xFFFFFFC0] =	vst v12;
	v5 =	vmul.f32 v10, v5  }
0x9c: {  	[tilespmem:s13+$0xFFFFFFD0] =	vst v11;
	v4 =	vmul.f32 v9, v4  }
0x9d: {  	[tilespmem:s13+$0xFFFFFFE0] =	vst v5;
	v3 =	vmul.f32 v7, v3  }
0x9e: {  	[tilespmem:s13+$0xFFFFFFF0] =	vst v4;
	v1 =	vmul.f32 v6, v1  }
0x9f: {  	[tilespmem:s13+$0x0] =	vst v3;
	v2 =	vmul.f32 v8, v2  }
0xa0: {  	[tilespmem:s13+$0x10] =	vst v1  }
0xa1: {  	[tilespmem:s13+$0x20] =	vst v2  }
0xa2: {  	[spmem:s6] =	stream.indirect.scatter.add.f32 [tilespmem:s23], [sflag:$0x3], $0x1, s24, s29, $0xb8;
	[tilespmem:$0x1E000] =	vst v63  }
.LBB2_8:
0xa3: {  	s4 =	simm.s32 @!p1 $0x5  }
0xa4: {  	s12 =	sor.u32 $0x40, s20;
	_ =	swait.ge @!p1 [sflag:s4], $0x1000  }
0xa5: {  	p2 =	sgt.u32 s12, $0x417;
	[sflag:s4] =	ssyncset.done @!p1 $0x0  }
0xa6: {  	[sflag:s4] =	ssyncadd.s32 @!p1 $0xFFFFF000;
	s4 =	sshll.u32 @!p2 s12, $0x9  }
0xa7: {  	s22 =	simm.s32 @!p2 $0x0;
	s15 =	simm.s32 @!p2 $0x12000;
	s13 =	sadd.s32 @!p2 s0, s4  }
0xa8: {  	[tilespmem:s15], [sflag:$0x1] =	stream.linear.gather @!p2 [hbm4b:s13+s22], $0x1000, $0x38;
	[tilespmem:$0x1E000] =	vst v63  }
0xa9: {  	s13 =	sadd.s32 @!p2 s1, s4;
	s15 =	simm.s32 @!p2 $0x14000  }
0xaa: {  	[tilespmem:s15], [sflag:$0x1] =	stream.linear.gather @!p2 [hbm4b:s13+s22], $0x1000, $0x38;
	[tilespmem:$0x1E000] =	vst v63  }
0xab: {  	s4 =	sadd.s32 @!p2 s3, s4;
	s13 =	simm.s32 @!p2 $0x16000  }
0xac: {  	[tilespmem:s13], [sflag:$0x1] =	stream.linear.gather @!p2 [hbm4b:s4+s22], $0x1000, $0x38;
	[tilespmem:$0x1E000] =	vst v63  }
0xad: {  	p2 =	sgt.u32 s21, $0x418  }
.Ltmp7:
0xae: {  	_ = 	snop;
	(pc) =	sbr.rel @p2 .LBB2_12-.Ltmp7, $1  }
0xaf: {  	_ =	sdelay $0x3  }
0xb0: {  	_ =	swait.ge [sflag:s30], $0x1000  }
0xb1: {  	[sflag:s30] =	ssyncset.done $0x0  }
0xb2: {  	[sflag:s30] =	ssyncadd.s32 $0xFFFFF000  }
0xb3: {  	_ =	swait.ge [sflag:s30], $0x1000  }
0xb4: {  	[sflag:s30] =	ssyncset.done $0x0  }
0xb5: {  	[sflag:s30] =	ssyncadd.s32 $0xFFFFF000  }
0xb6: {  	_ =	swait.ge [sflag:s30], $0x1000  }
0xb7: {  	[sflag:s30] =	ssyncset.done $0x0  }
0xb8: {  	s4 =	simm.s32 $0x15040;
	[sflag:s30] =	ssyncadd.s32 $0xFFFFF000  }
0xb9: {  	v1 =	vld [tilespmem:s4+$0x30]  }
0xba: {  	v2 =	vld [tilespmem:s4+$0xFFFFFFD0]  }
0xbb: {  	v3 =	vld [tilespmem:s4+$0xFFFFFFE0]  }
0xbc: {  	v4 =	vld [tilespmem:s4+$0xFFFFFFF0]  }
0xbd: {  	v6 =	vld [tilespmem:s4+$0x0]  }
0xbe: {  	v7 =	vld [tilespmem:s4+$0x10]  }
0xbf: {  	v8 =	vld [tilespmem:s4+$0x20]  }
0xc0: {  	s21 =	simm.s32 $0x17040;
	v9 =	vld [tilespmem:s4+$0xFFFFFFC0]  }
0xc1: {  	v12 =	vld [tilespmem:s21+$0x30]  }
0xc2: {  	v15 =	vld [tilespmem:s21+$0xFFFFFFD0]  }
0xc3: {  	v10 =	vld [tilespmem:s21+$0xFFFFFFE0]  }
0xc4: {  	v11 =	vld.idx.msk [tilespmem:v1+s7+$0x0], $0xffff  }
0xc5: {  	v13 =	vld.idx.msk [tilespmem:v2+s7+$0x0], $0xffff  }
0xc6: {  	v5 =	vld.idx.msk [tilespmem:v3+s7+$0x0], $0xffff  }
0xc7: {  	v4 =	vld.idx.msk [tilespmem:v4+s7+$0x0], $0xffff  }
0xc8: {  	v14 =	vld.idx.msk [tilespmem:v9+s7+$0x0], $0xffff  }
0xc9: {  	v2 =	vld.idx.msk [tilespmem:v8+s7+$0x0], $0xffff  }
0xca: {  	v8 =	vld [tilespmem:s21+$0xFFFFFFC0]  }
0xcb: {  	v3 =	vld.idx.msk [tilespmem:v6+s7+$0x0], $0xffff  }
0xcc: {  	v1 =	vld.idx.msk [tilespmem:v7+s7+$0x0], $0xffff  }
0xcd: {  	v9 =	vld [tilespmem:s21+$0xFFFFFFF0]  }
0xce: {  	v7 =	vld [tilespmem:s21+$0x0];
	v11 =	vmul.f32 v12, v11  }
0xcf: {  	s13 =	simm.s32 $0x19040;
	v6 =	vld [tilespmem:s21+$0x10];
	v12 =	vmul.f32 v8, v14  }
0xd0: {  	s22 =	simm.s32 $0x150C0;
	s4 =	simm.s32 $0x0;
	v8 =	vld [tilespmem:s21+$0x20];
	[tilespmem:s13+$0x30] =	vst v11;
	v11 =	vmul.f32 v15, v13  }
.LBB2_10:
0xd1: {  	v13 =	vld [tilespmem:s22+$0x30];
	s4 =	sadd.s32 $0x8, s4;
	[tilespmem:s13+$0xFFFFFFC0] =	vst v12;
	v5 =	vmul.f32 v10, v5  }
0xd2: {  	v10 =	vld [tilespmem:s22+$0xFFFFFFD0];
	p2 =	slt.u32 s4, $0xF8;
	[tilespmem:s13+$0xFFFFFFD0] =	vst v11;
	v4 =	vmul.f32 v9, v4  }
0xd3: {  	v9 =	vld [tilespmem:s22+$0xFFFFFFE0];
	[tilespmem:s13+$0xFFFFFFE0] =	vst v5;
	v3 =	vmul.f32 v7, v3  }
0xd4: {  	v7 =	vld [tilespmem:s22+$0xFFFFFFF0];
	[tilespmem:s13+$0xFFFFFFF0] =	vst v4;
	v1 =	vmul.f32 v6, v1  }
0xd5: {  	v6 =	vld [tilespmem:s22+$0x0];
	[tilespmem:s13+$0x0] =	vst v3;
	v2 =	vmul.f32 v8, v2  }
0xd6: {  	v8 =	vld [tilespmem:s22+$0x10];
	[tilespmem:s13+$0x10] =	vst v1  }
0xd7: {  	v11 =	vld [tilespmem:s22+$0x20];
	[tilespmem:s13+$0x20] =	vst v2  }
0xd8: {  	v2 =	vld [tilespmem:s22+$0xFFFFFFC0]  }
0xd9: {  	s21 =	sadd.s32 $0x80, s21;
	v12 =	vld.idx.msk [tilespmem:v13+s7+$0x0], $0xffff  }
0xda: {  	v13 =	vld [tilespmem:s21+$0x30]  }
0xdb: {  	v14 =	vld.idx.msk [tilespmem:v10+s7+$0x0], $0xffff  }
0xdc: {  	v5 =	vld.idx.msk [tilespmem:v9+s7+$0x0], $0xffff  }
0xdd: {  	v4 =	vld.idx.msk [tilespmem:v7+s7+$0x0], $0xffff  }
0xde: {  	v3 =	vld.idx.msk [tilespmem:v6+s7+$0x0], $0xffff  }
0xdf: {  	v1 =	vld.idx.msk [tilespmem:v8+s7+$0x0], $0xffff;
	v6 =	vmul.f32 v13, v12  }
0xe0: {  	s13 =	sadd.s32 $0x80, s13;
	v8 =	vld.idx.msk [tilespmem:v2+s7+$0x0], $0xffff  }
0xe1: {  	v2 =	vld.idx.msk [tilespmem:v11+s7+$0x0], $0xffff;
	[tilespmem:s13+$0x30] =	vst v6  }
0xe2: {  	v6 =	vld [tilespmem:s21+$0xFFFFFFC0]  }
0xe3: {  	v11 =	vld [tilespmem:s21+$0xFFFFFFD0]  }
.Ltmp8:
0xe4: {  	v10 =	vld [tilespmem:s21+$0xFFFFFFE0];
	(pc) =	sbr.rel @p2 .LBB2_10-.Ltmp8, $4  }
0xe5: {  	v9 =	vld [tilespmem:s21+$0xFFFFFFF0]  }
0xe6: {  	v7 =	vld [tilespmem:s21+$0x0]  }
0xe7: {  	v12 =	vmul.f32 v6, v8;
	v6 =	vld [tilespmem:s21+$0x10]  }
0xe8: {  	s22 =	sadd.s32 $0x80, s22;
	v11 =	vmul.f32 v11, v14;
	v8 =	vld [tilespmem:s21+$0x20]  }
0xe9: {  	[tilespmem:s13+$0xFFFFFFC0] =	vst v12;
	v5 =	vmul.f32 v10, v5  }
0xea: {  	[tilespmem:s13+$0xFFFFFFD0] =	vst v11;
	v4 =	vmul.f32 v9, v4  }
0xeb: {  	[tilespmem:s13+$0xFFFFFFE0] =	vst v5;
	v3 =	vmul.f32 v7, v3  }
0xec: {  	[tilespmem:s13+$0xFFFFFFF0] =	vst v4;
	v1 =	vmul.f32 v6, v1  }
0xed: {  	[tilespmem:s13+$0x0] =	vst v3;
	v2 =	vmul.f32 v8, v2  }
0xee: {  	[tilespmem:s13+$0x10] =	vst v1  }
0xef: {  	[tilespmem:s13+$0x20] =	vst v2  }
0xf0: {  	[spmem:s6] =	stream.indirect.scatter.add.f32 [tilespmem:s2], [sflag:$0x4], $0x1, s31, s29, $0xb8;
	[tilespmem:$0x1E000] =	vst v63  }
.LBB2_12:
0xf1: {  	s4 =	simm.s32 @!p1 $0x6  }
0xf2: {  	s20 =	sor.u32 $0x60, s20;
	_ =	swait.ge @!p1 [sflag:s4], $0x1000  }
0xf3: {  	p2 =	sgt.u32 s20, $0x417;
	[sflag:s4] =	ssyncset.done @!p1 $0x0  }
0xf4: {  	s15 =	simm.s32 @!p2 $0x0;
	[sflag:s4] =	ssyncadd.s32 @!p1 $0xFFFFF000;
	s4 =	sshll.u32 @!p2 s20, $0x9  }
0xf5: {  	s21 =	simm.s32 @!p2 $0x13000;
	p1 =	sgt.u32 s12, $0x418;
	s13 =	sadd.s32 @!p2 s0, s4  }
0xf6: {  	[tilespmem:s21], [sflag:$0x2] =	stream.linear.gather @!p2 [hbm4b:s13+s15], $0x1000, $0x38;
	[tilespmem:$0x1E000] =	vst v63  }
.Ltmp9:
0xf7: {  	_ = 	snop;
	(pc) =	sbr.rel @p1 .LBB2_16-.Ltmp9, $4  }
0xf8: {  	s13 =	sadd.s32 @!p2 s1, s4;
	s21 =	simm.s32 @!p2 $0x15000  }
0xf9: {  	[tilespmem:s21], [sflag:$0x2] =	stream.linear.gather @!p2 [hbm4b:s13+s15], $0x1000, $0x38;
	[tilespmem:$0x1E000] =	vst v63  }
0xfa: {  	s4 =	sadd.s32 @!p2 s3, s4;
	s13 =	simm.s32 @!p2 $0x17000  }
0xfb: {  	[tilespmem:s13], [sflag:$0x2] =	stream.linear.gather @!p2 [hbm4b:s4+s15], $0x1000, $0x38;
	[tilespmem:$0x1E000] =	vst v63  }
0xfc: {  	_ =	swait.ge [sflag:s28], $0x1000  }
0xfd: {  	[sflag:s28] =	ssyncset.done $0x0  }
0xfe: {  	[sflag:s28] =	ssyncadd.s32 $0xFFFFF000  }
0xff: {  	_ =	swait.ge [sflag:s28], $0x1000  }
0x100: {  	[sflag:s28] =	ssyncset.done $0x0  }
0x101: {  	[sflag:s28] =	ssyncadd.s32 $0xFFFFF000  }
0x102: {  	_ =	swait.ge [sflag:s28], $0x1000  }
0x103: {  	[sflag:s28] =	ssyncset.done $0x0  }
0x104: {  	s4 =	simm.s32 $0x14040;
	[sflag:s28] =	ssyncadd.s32 $0xFFFFF000  }
0x105: {  	v1 =	vld [tilespmem:s4+$0x30]  }
0x106: {  	v2 =	vld [tilespmem:s4+$0xFFFFFFD0]  }
0x107: {  	v3 =	vld [tilespmem:s4+$0xFFFFFFE0]  }
0x108: {  	v4 =	vld [tilespmem:s4+$0xFFFFFFF0]  }
0x109: {  	v6 =	vld [tilespmem:s4+$0x0]  }
0x10a: {  	v7 =	vld [tilespmem:s4+$0x10]  }
0x10b: {  	v8 =	vld [tilespmem:s4+$0x20]  }
0x10c: {  	s12 =	simm.s32 $0x16040;
	v9 =	vld [tilespmem:s4+$0xFFFFFFC0]  }
0x10d: {  	v12 =	vld [tilespmem:s12+$0x30]  }
0x10e: {  	v15 =	vld [tilespmem:s12+$0xFFFFFFD0]  }
0x10f: {  	v10 =	vld [tilespmem:s12+$0xFFFFFFE0]  }
0x110: {  	v11 =	vld.idx.msk [tilespmem:v1+s7+$0x0], $0xffff  }
0x111: {  	v13 =	vld.idx.msk [tilespmem:v2+s7+$0x0], $0xffff  }
0x112: {  	v5 =	vld.idx.msk [tilespmem:v3+s7+$0x0], $0xffff  }
0x113: {  	v4 =	vld.idx.msk [tilespmem:v4+s7+$0x0], $0xffff  }
0x114: {  	v14 =	vld.idx.msk [tilespmem:v9+s7+$0x0], $0xffff  }
0x115: {  	v2 =	vld.idx.msk [tilespmem:v8+s7+$0x0], $0xffff  }
0x116: {  	v8 =	vld [tilespmem:s12+$0xFFFFFFC0]  }
0x117: {  	v3 =	vld.idx.msk [tilespmem:v6+s7+$0x0], $0xffff  }
0x118: {  	v1 =	vld.idx.msk [tilespmem:v7+s7+$0x0], $0xffff  }
0x119: {  	v9 =	vld [tilespmem:s12+$0xFFFFFFF0]  }
0x11a: {  	v7 =	vld [tilespmem:s12+$0x0];
	v11 =	vmul.f32 v12, v11  }
0x11b: {  	s13 =	simm.s32 $0x1A040;
	v6 =	vld [tilespmem:s12+$0x10];
	v12 =	vmul.f32 v8, v14  }
0x11c: {  	s21 =	simm.s32 $0x140C0;
	s4 =	simm.s32 $0x0;
	v8 =	vld [tilespmem:s12+$0x20];
	[tilespmem:s13+$0x30] =	vst v11;
	v11 =	vmul.f32 v15, v13  }
.LBB2_14:
0x11d: {  	v13 =	vld [tilespmem:s21+$0x30];
	s4 =	sadd.s32 $0x8, s4;
	[tilespmem:s13+$0xFFFFFFC0] =	vst v12;
	v5 =	vmul.f32 v10, v5  }
0x11e: {  	v10 =	vld [tilespmem:s21+$0xFFFFFFD0];
	p1 =	slt.u32 s4, $0xF8;
	[tilespmem:s13+$0xFFFFFFD0] =	vst v11;
	v4 =	vmul.f32 v9, v4  }
0x11f: {  	v9 =	vld [tilespmem:s21+$0xFFFFFFE0];
	[tilespmem:s13+$0xFFFFFFE0] =	vst v5;
	v3 =	vmul.f32 v7, v3  }
0x120: {  	v7 =	vld [tilespmem:s21+$0xFFFFFFF0];
	[tilespmem:s13+$0xFFFFFFF0] =	vst v4;
	v1 =	vmul.f32 v6, v1  }
0x121: {  	v6 =	vld [tilespmem:s21+$0x0];
	[tilespmem:s13+$0x0] =	vst v3;
	v2 =	vmul.f32 v8, v2  }
0x122: {  	v8 =	vld [tilespmem:s21+$0x10];
	[tilespmem:s13+$0x10] =	vst v1  }
0x123: {  	v11 =	vld [tilespmem:s21+$0x20];
	[tilespmem:s13+$0x20] =	vst v2  }
0x124: {  	v2 =	vld [tilespmem:s21+$0xFFFFFFC0]  }
0x125: {  	s12 =	sadd.s32 $0x80, s12;
	v12 =	vld.idx.msk [tilespmem:v13+s7+$0x0], $0xffff  }
0x126: {  	v13 =	vld [tilespmem:s12+$0x30]  }
0x127: {  	v14 =	vld.idx.msk [tilespmem:v10+s7+$0x0], $0xffff  }
0x128: {  	v5 =	vld.idx.msk [tilespmem:v9+s7+$0x0], $0xffff  }
0x129: {  	v4 =	vld.idx.msk [tilespmem:v7+s7+$0x0], $0xffff  }
0x12a: {  	v3 =	vld.idx.msk [tilespmem:v6+s7+$0x0], $0xffff  }
0x12b: {  	v1 =	vld.idx.msk [tilespmem:v8+s7+$0x0], $0xffff;
	v6 =	vmul.f32 v13, v12  }
0x12c: {  	s13 =	sadd.s32 $0x80, s13;
	v8 =	vld.idx.msk [tilespmem:v2+s7+$0x0], $0xffff  }
0x12d: {  	v2 =	vld.idx.msk [tilespmem:v11+s7+$0x0], $0xffff;
	[tilespmem:s13+$0x30] =	vst v6  }
0x12e: {  	v6 =	vld [tilespmem:s12+$0xFFFFFFC0]  }
0x12f: {  	v11 =	vld [tilespmem:s12+$0xFFFFFFD0]  }
.Ltmp10:
0x130: {  	v10 =	vld [tilespmem:s12+$0xFFFFFFE0];
	(pc) =	sbr.rel @p1 .LBB2_14-.Ltmp10, $4  }
0x131: {  	v9 =	vld [tilespmem:s12+$0xFFFFFFF0]  }
0x132: {  	v7 =	vld [tilespmem:s12+$0x0]  }
0x133: {  	v12 =	vmul.f32 v6, v8;
	v6 =	vld [tilespmem:s12+$0x10]  }
0x134: {  	s21 =	sadd.s32 $0x80, s21;
	v11 =	vmul.f32 v11, v14;
	v8 =	vld [tilespmem:s12+$0x20]  }
0x135: {  	[tilespmem:s13+$0xFFFFFFC0] =	vst v12;
	v5 =	vmul.f32 v10, v5  }
0x136: {  	[tilespmem:s13+$0xFFFFFFD0] =	vst v11;
	v4 =	vmul.f32 v9, v4  }
0x137: {  	[tilespmem:s13+$0xFFFFFFE0] =	vst v5;
	v3 =	vmul.f32 v7, v3  }
0x138: {  	[tilespmem:s13+$0xFFFFFFF0] =	vst v4;
	v1 =	vmul.f32 v6, v1  }
0x139: {  	[tilespmem:s13+$0x0] =	vst v3;
	v2 =	vmul.f32 v8, v2  }
0x13a: {  	[tilespmem:s13+$0x10] =	vst v1  }
0x13b: {  	[tilespmem:s13+$0x20] =	vst v2  }
0x13c: {  	[spmem:s6] =	stream.indirect.scatter.add.f32 [tilespmem:s5], [sflag:$0x5], $0x1, s8, s29, $0xb8;
	[tilespmem:$0x1E000] =	vst v63  }
.LBB2_16:
0x13d: {  	s4 =	sadd.s32 s17, s19  }
0x13e: {  	p1 =	sgt.u32 s4, $0x417  }
.Ltmp11:
0x13f: {  	_ = 	snop;
	(pc) =	sbr.rel @p1 .LBB2_18-.Ltmp11, $4  }
0x140: {  	s12 =	simm.s32 @!p0 $0x3  }
0x141: {  	_ =	swait.ge @!p0 [sflag:s12], $0x1000  }
0x142: {  	[sflag:s12] =	ssyncset.done @!p0 $0x0  }
0x143: {  	[sflag:s12] =	ssyncadd.s32 @!p0 $0xFFFFF000  }
.Ltmp12:
0x144: {  	s4 =	sshll.u32 s4, $0x9;
	(pc) =	sbr.rel .LBB2_20-.Ltmp12, $4  }
0x145: {  	s12 =	sadd.s32 s0, s4  }
0x146: {  	[tilespmem:s24], [sflag:$0x1] =	stream.linear.gather [hbm4b:s12+s7], $0x1000, $0x38;
	[tilespmem:$0x1E000] =	vst v63  }
0x147: {  	s22 =	sadd.s32 s1, s4;
	s4 =	sadd.s32 s3, s4  }
0x148: {  	[tilespmem:s25], [sflag:$0x1] =	stream.linear.gather [hbm4b:s22+s7], $0x1000, $0x38;
	[tilespmem:$0x1E000] =	vst v63  }
.LBB2_18:
0x149: {  	p0 =	sne.s32 s4, $0x418  }
.Ltmp13:
0x14a: {  	_ = 	snop;
	(pc) =	sbr.rel @p0 .LBB2_21-.Ltmp13, $1  }
0x14b: {  	_ =	sdelay $0x3  }
0x14c: {  	s4 =	rddreg [dreg:$0x3]  }
0x14d: {  	[tilespmem:s24], [sflag:$0x1] =	stream.linear.gather [hbm4b:s4+s7], $0x1000, $0x38;
	[tilespmem:$0x1E000] =	vst v63  }
0x14e: {  	s4 =	smov.u32 s9  }
0x14f: {  	[tilespmem:s25], [sflag:$0x1] =	stream.linear.gather [hbm4b:s18+s7], $0x1000, $0x38;
	[tilespmem:$0x1E000] =	vst v63  }
.LBB2_20:
0x150: {  	[tilespmem:s26], [sflag:$0x1] =	stream.linear.gather [hbm4b:s4+s7], $0x1000, $0x38;
	[tilespmem:$0x1E000] =	vst v63  }
.LBB2_21:
0x151: {  	p0 =	sgt.u32 s20, $0x418  }
.Ltmp14:
0x152: {  	_ = 	snop;
	(pc) =	sbr.rel @p0 .LBB2_25-.Ltmp14, $1  }
0x153: {  	_ =	sdelay $0x3  }
0x154: {  	_ =	swait.ge [sflag:s30], $0x1000  }
0x155: {  	[sflag:s30] =	ssyncset.done $0x0  }
0x156: {  	[sflag:s30] =	ssyncadd.s32 $0xFFFFF000  }
0x157: {  	_ =	swait.ge [sflag:s30], $0x1000  }
0x158: {  	[sflag:s30] =	ssyncset.done $0x0  }
0x159: {  	[sflag:s30] =	ssyncadd.s32 $0xFFFFF000  }
0x15a: {  	_ =	swait.ge [sflag:s30], $0x1000  }
0x15b: {  	[sflag:s30] =	ssyncset.done $0x0  }
0x15c: {  	s4 =	simm.s32 $0x15040;
	[sflag:s30] =	ssyncadd.s32 $0xFFFFF000  }
0x15d: {  	v1 =	vld [tilespmem:s4+$0x30]  }
0x15e: {  	v2 =	vld [tilespmem:s4+$0xFFFFFFD0]  }
0x15f: {  	v3 =	vld [tilespmem:s4+$0xFFFFFFE0]  }
0x160: {  	v4 =	vld [tilespmem:s4+$0xFFFFFFF0]  }
0x161: {  	v6 =	vld [tilespmem:s4+$0x0]  }
0x162: {  	v7 =	vld [tilespmem:s4+$0x10]  }
0x163: {  	v8 =	vld [tilespmem:s4+$0x20]  }
0x164: {  	s12 =	simm.s32 $0x17040;
	v9 =	vld [tilespmem:s4+$0xFFFFFFC0]  }
0x165: {  	v12 =	vld [tilespmem:s12+$0x30]  }
0x166: {  	v15 =	vld [tilespmem:s12+$0xFFFFFFD0]  }
0x167: {  	v10 =	vld [tilespmem:s12+$0xFFFFFFE0]  }
0x168: {  	v11 =	vld.idx.msk [tilespmem:v1+s7+$0x0], $0xffff  }
0x169: {  	v13 =	vld.idx.msk [tilespmem:v2+s7+$0x0], $0xffff  }
0x16a: {  	v5 =	vld.idx.msk [tilespmem:v3+s7+$0x0], $0xffff  }
0x16b: {  	v4 =	vld.idx.msk [tilespmem:v4+s7+$0x0], $0xffff  }
0x16c: {  	v14 =	vld.idx.msk [tilespmem:v9+s7+$0x0], $0xffff  }
0x16d: {  	v2 =	vld.idx.msk [tilespmem:v8+s7+$0x0], $0xffff  }
0x16e: {  	v8 =	vld [tilespmem:s12+$0xFFFFFFC0]  }
0x16f: {  	v3 =	vld.idx.msk [tilespmem:v6+s7+$0x0], $0xffff  }
0x170: {  	v1 =	vld.idx.msk [tilespmem:v7+s7+$0x0], $0xffff  }
0x171: {  	v9 =	vld [tilespmem:s12+$0xFFFFFFF0]  }
0x172: {  	v7 =	vld [tilespmem:s12+$0x0];
	v11 =	vmul.f32 v12, v11  }
0x173: {  	s13 =	simm.s32 $0x1B040;
	v6 =	vld [tilespmem:s12+$0x10];
	v12 =	vmul.f32 v8, v14  }
0x174: {  	s19 =	simm.s32 $0x150C0;
	s4 =	simm.s32 $0x0;
	v8 =	vld [tilespmem:s12+$0x20];
	[tilespmem:s13+$0x30] =	vst v11;
	v11 =	vmul.f32 v15, v13  }
.LBB2_23:
0x175: {  	v13 =	vld [tilespmem:s19+$0x30];
	s4 =	sadd.s32 $0x8, s4;
	[tilespmem:s13+$0xFFFFFFC0] =	vst v12;
	v5 =	vmul.f32 v10, v5  }
0x176: {  	v10 =	vld [tilespmem:s19+$0xFFFFFFD0];
	p0 =	slt.u32 s4, $0xF8;
	[tilespmem:s13+$0xFFFFFFD0] =	vst v11;
	v4 =	vmul.f32 v9, v4  }
0x177: {  	v9 =	vld [tilespmem:s19+$0xFFFFFFE0];
	[tilespmem:s13+$0xFFFFFFE0] =	vst v5;
	v3 =	vmul.f32 v7, v3  }
0x178: {  	v7 =	vld [tilespmem:s19+$0xFFFFFFF0];
	[tilespmem:s13+$0xFFFFFFF0] =	vst v4;
	v1 =	vmul.f32 v6, v1  }
0x179: {  	v6 =	vld [tilespmem:s19+$0x0];
	[tilespmem:s13+$0x0] =	vst v3;
	v2 =	vmul.f32 v8, v2  }
0x17a: {  	v8 =	vld [tilespmem:s19+$0x10];
	[tilespmem:s13+$0x10] =	vst v1  }
0x17b: {  	v11 =	vld [tilespmem:s19+$0x20];
	[tilespmem:s13+$0x20] =	vst v2  }
0x17c: {  	v2 =	vld [tilespmem:s19+$0xFFFFFFC0]  }
0x17d: {  	s12 =	sadd.s32 $0x80, s12;
	v12 =	vld.idx.msk [tilespmem:v13+s7+$0x0], $0xffff  }
0x17e: {  	v13 =	vld [tilespmem:s12+$0x30]  }
0x17f: {  	v14 =	vld.idx.msk [tilespmem:v10+s7+$0x0], $0xffff  }
0x180: {  	v5 =	vld.idx.msk [tilespmem:v9+s7+$0x0], $0xffff  }
0x181: {  	v4 =	vld.idx.msk [tilespmem:v7+s7+$0x0], $0xffff  }
0x182: {  	v3 =	vld.idx.msk [tilespmem:v6+s7+$0x0], $0xffff  }
0x183: {  	v1 =	vld.idx.msk [tilespmem:v8+s7+$0x0], $0xffff;
	v6 =	vmul.f32 v13, v12  }
0x184: {  	s13 =	sadd.s32 $0x80, s13;
	v8 =	vld.idx.msk [tilespmem:v2+s7+$0x0], $0xffff  }
0x185: {  	v2 =	vld.idx.msk [tilespmem:v11+s7+$0x0], $0xffff;
	[tilespmem:s13+$0x30] =	vst v6  }
0x186: {  	v6 =	vld [tilespmem:s12+$0xFFFFFFC0]  }
0x187: {  	v11 =	vld [tilespmem:s12+$0xFFFFFFD0]  }
.Ltmp15:
0x188: {  	v10 =	vld [tilespmem:s12+$0xFFFFFFE0];
	(pc) =	sbr.rel @p0 .LBB2_23-.Ltmp15, $4  }
0x189: {  	v9 =	vld [tilespmem:s12+$0xFFFFFFF0]  }
0x18a: {  	v7 =	vld [tilespmem:s12+$0x0]  }
0x18b: {  	v12 =	vmul.f32 v6, v8;
	v6 =	vld [tilespmem:s12+$0x10]  }
0x18c: {  	s19 =	sadd.s32 $0x80, s19;
	v11 =	vmul.f32 v11, v14;
	v8 =	vld [tilespmem:s12+$0x20]  }
0x18d: {  	[tilespmem:s13+$0xFFFFFFC0] =	vst v12;
	v5 =	vmul.f32 v10, v5  }
0x18e: {  	[tilespmem:s13+$0xFFFFFFD0] =	vst v11;
	v4 =	vmul.f32 v9, v4  }
0x18f: {  	[tilespmem:s13+$0xFFFFFFE0] =	vst v5;
	v3 =	vmul.f32 v7, v3  }
.Ltmp16:
0x190: {  	[tilespmem:s13+$0xFFFFFFF0] =	vst v4;
	v1 =	vmul.f32 v6, v1;
	(pc) =	sbr.rel .LBB2_25-.Ltmp16, $4  }
0x191: {  	[tilespmem:s13+$0x0] =	vst v3;
	v2 =	vmul.f32 v8, v2  }
0x192: {  	[tilespmem:s13+$0x10] =	vst v1  }
0x193: {  	[tilespmem:s13+$0x20] =	vst v2  }
0x194: {  	[spmem:s6] =	stream.indirect.scatter.add.f32 [tilespmem:s14], [sflag:$0x6], $0x1, s11, s29, $0xb8;
	[tilespmem:$0x1E000] =	vst v63  }
.LBB2_27:
0x195: {  	_ =	sfence.sel $0x180000  }
0x196: {  	[bflag:$0x0] =	sbarrier.arrive $0xFFFF  }
0x197: {  	_ =	strace $0x90000047  }
0x198: {  	s0 =	stileid.u32;
	[bflag:$0x2] =	sbarrier.arrive $0xFFFF  }
0x199: {  	p0 =	sne.s32 s0, $0x0;
	s0 =	rddreg [dreg:$0x8]  }
0x19a: {  	s0 =	sadd.s32 @!p0 $0x100000, s0  }
0x19b: {  	[sflag:s0] =	ssyncadd.tile.s32 @!p0 $0x1;
	_ =	shalt  }
.Lfunc_end2:
_tile_overlayer_lowered:
.L_overlay_start_2:
0x19c: {  	(tag) =	ssettag $0x2  }
0x19d: {  	s0 =	rddreg [dreg:$0x0];
	s2 =	stileid.u32  }
0x19e: {  	s1 =	rddreg [dreg:$0x1];
	p0 =	sne.s32 s2, $0x0  }
0x19f: {  	s3 =	rddreg [dreg:$0x2];
	[bflag:$0x3] =	sbarrier.arrive $0xFFFF;
	s2 =	simm.s32 @!p0 $0x1C07  }
0x1a0: {  	[timem:s3], [sflag:s2] =	dma.local @!p0 [hbm:s0], s1  }
0x1a1: {  	s0 =	simm.s32 @!p0 $0x7  }
0x1a2: {  	_ =	swait.ge @!p0 [sflag:s0], s1  }
0x1a3: {  	s1 =	ssub.s32 @!p0 $0x0, s1;
	[sflag:s0] =	ssyncset.done @!p0 $0x0  }
0x1a4: {  	[sflag:s0] =	ssyncadd.s32 @!p0 s1  }
0x1a5: {  	[bflag:$0x3] =	sbarrier.arrive $0xFFFF  }
0x1a6: {  	_ =	shalt  }

</sc_bundles>
